<compile_context>
chip_gen: v7x
topology: tpu7x:2x2x1
jax: 0.10.2.dev20260603
libtpu: 0.0.44.dev20260713+nightly
codegen_flags: <defaults>
</compile_context>

<pallas_src>
import functools

import jax
import jax.numpy as jnp
from jax import lax
from jax.experimental import pallas as pl
from jax.experimental.pallas import tpu as pltpu
from jax.experimental.pallas import tpu_sc as plsc

B, L = 4, 8192
C = 128
S = 8
NT = B * L
NC, NS = 2, 16
NW = NC * NS
TOK_PER_W = NT // NW
CHUNK = 128
NCHUNK = TOK_PER_W // CHUNK
NTAB = 4
NBUF = 4
ROWS = 257 * 9 + 3 * 512
ROWS_PAD = 4096
RPT = ROWS_PAD // NS


def _sc_gather_sum(table, idx):
    mesh = plsc.VectorSubcoreMesh(
        core_axis_name="c", subcore_axis_name="s", num_cores=NC, num_subcores=NS
    )

    @functools.partial(
        pl.kernel,
        out_type=jax.ShapeDtypeStruct((NT, C), jnp.float32),
        mesh=mesh,
        scratch_types=[
            pltpu.VMEM_SHARED((ROWS_PAD, C), jnp.float32),
            pltpu.VMEM((NCHUNK, NTAB, CHUNK), jnp.int32),
            [pltpu.VMEM((CHUNK, C), jnp.float32) for _ in range(NBUF)],
            [pltpu.SemaphoreType.DMA for _ in range(NBUF)],
            [pltpu.SemaphoreType.DMA for _ in range(NBUF)],
            [pltpu.SemaphoreType.DMA for _ in range(NBUF)],
        ],
    )
    def k(table_hbm, idx_hbm, x_hbm, table_sp, idx_v, accs, gsems,
          asems, wsems):
        sid = lax.axis_index("s")
        wid = sid * NC + lax.axis_index("c")
        tbase = wid * TOK_PER_W

        for p in range(RPT // CHUNK):
            r0 = sid * RPT + p * CHUNK
            pltpu.sync_copy(table_hbm.at[pl.ds(r0, CHUNK)], accs[p % NBUF])
            pltpu.sync_copy(accs[p % NBUF], table_sp.at[pl.ds(r0, CHUNK)])
        pltpu.sync_copy(idx_hbm.at[wid], idx_v)
        plsc.subcore_barrier()

        for b in range(NBUF):
            pltpu.async_copy(table_sp.at[idx_v.at[b, 0]], accs[b], gsems[b])

        def body(i4, carry):
            for b in range(NBUF):
                c = i4 * NBUF + b
                pltpu.make_async_copy(
                    table_sp.at[idx_v.at[c, 0]], accs[b], gsems[b]
                ).wait()
                for j in range(1, NTAB):
                    pltpu.async_copy(
                        table_sp.at[idx_v.at[c, j]], accs[b], asems[b],
                        add=True,
                    )
            for b in range(NBUF):
                c = i4 * NBUF + b
                for j in range(1, NTAB):
                    pltpu.make_async_copy(
                        table_sp.at[idx_v.at[c, j]], accs[b], asems[b]
                    ).wait()
                pltpu.async_copy(
                    accs[b], x_hbm.at[pl.ds(tbase + c * CHUNK, CHUNK)],
                    wsems[b],
                )

                @pl.when(c + NBUF < NCHUNK)
                def _(b=b, c=c):
                    pltpu.make_async_copy(
                        accs[b], x_hbm.at[pl.ds(tbase + c * CHUNK, CHUNK)],
                        wsems[b],
                    ).wait()
                    pltpu.async_copy(
                        table_sp.at[idx_v.at[c + NBUF, 0]], accs[b], gsems[b]
                    )
            return carry

        lax.fori_loop(0, NCHUNK // NBUF, body, 0)
        for b in range(NBUF):
            c = NCHUNK - NBUF + b
            pltpu.make_async_copy(
                accs[b], x_hbm.at[pl.ds(tbase + c * CHUNK, CHUNK)], wsems[b]
            ).wait()

    return k(table, idx)


def _conv_matmul(x2, wflat, bias2):
    rows = NT // S
    blk = 512
    grid = rows // blk

    def body(x_ref, w_ref, b_ref, o_ref):
        o_ref[...] = (
            jnp.dot(x_ref[...], w_ref[...], preferred_element_type=jnp.float32)
            + b_ref[...]
        )

    return pl.pallas_call(
        body,
        grid=(grid,),
        in_specs=[
            pl.BlockSpec((blk, S * C), lambda i: (i, 0)),
            pl.BlockSpec((S * C, C), lambda i: (0, 0)),
            pl.BlockSpec((1, C), lambda i: (0, 0)),
        ],
        out_specs=pl.BlockSpec((blk, C), lambda i: (i, 0)),
        out_shape=jax.ShapeDtypeStruct((rows, C), jnp.float32),
    )(x2, wflat, bias2)


def kernel(value, depth, position, src_value_emb, depth_emb, sp_emb0, sp_emb1,
           sp_emb2, conv_w, conv_b):
    vd = (src_value_emb.at[0].set(0.0)[:, None, :]
          + depth_emb.at[0].set(0.0)[None, :, :]).reshape(257 * 9, C)
    table = jnp.concatenate(
        [
            vd,
            sp_emb0.at[0].set(0.0),
            sp_emb1.at[0].set(0.0),
            sp_emb2.at[0].set(0.0),
        ],
        axis=0,
    )
    table = jnp.pad(table, ((0, ROWS_PAD - ROWS), (0, 0)))
    offs = jnp.array([0, 2313, 2825, 3337], dtype=jnp.int32)
    idx = jnp.stack(
        [
            value.reshape(-1) * 9 + depth.reshape(-1),
            position[:, :, 0].reshape(-1),
            position[:, :, 1].reshape(-1),
            position[:, :, 2].reshape(-1),
        ],
        axis=0,
    ) + offs[:, None]
    idx = idx.reshape(NTAB, NW, NCHUNK, CHUNK).transpose(1, 2, 0, 3)

    x = _sc_gather_sum(table, idx)
    x2 = x.reshape(NT // S, S * C)
    wflat = conv_w.transpose(2, 1, 0).reshape(S * C, C)
    y = _conv_matmul(x2, wflat, conv_b.reshape(1, C))
    return y.reshape(B, NT // (S * B), C)

# --- scband reference (transcript-rebuilt; emitter-appended) ---
"""Pipeline reference for scband-single-convolutional-embedding-a-51651276702421 (READ-ONLY COPY).

The authoritative reference and input builder live on the scoring server;
editing this copy changes nothing except your own understanding.
"""

import jax, jax.numpy as jnp
import numpy as np

B, L = 4, 8192
NUM_VOCAB = 256
EMBED_DIM = 128
RESOLUTION = 256
SPATIAL_DIM = 3
TREE_DEPTH = 8  # int(log2(resolution))
S = 2 ** SPATIAL_DIM  # conv kernel size and stride = 8


def setup_inputs(seed: int = 0) -> dict:
    key = jax.random.key(seed)
    ks = jax.random.split(key, 10)
    value = jax.random.randint(ks[0], (B, L), 0, NUM_VOCAB + 1, dtype=jnp.int32)
    depth = jax.random.randint(ks[1], (B, L), 0, TREE_DEPTH + 1, dtype=jnp.int32)
    position = jax.random.randint(ks[2], (B, L, SPATIAL_DIM), 0, 2 * RESOLUTION, dtype=jnp.int32)
    src_value_emb = jax.random.normal(ks[3], (NUM_VOCAB + 1, EMBED_DIM), dtype=jnp.float32)
    depth_emb = jax.random.normal(ks[4], (TREE_DEPTH + 1, EMBED_DIM), dtype=jnp.float32)
    sp_emb0 = jax.random.normal(ks[5], (2 * RESOLUTION, EMBED_DIM), dtype=jnp.float32)
    sp_emb1 = jax.random.normal(ks[6], (2 * RESOLUTION, EMBED_DIM), dtype=jnp.float32)
    sp_emb2 = jax.random.normal(ks[7], (2 * RESOLUTION, EMBED_DIM), dtype=jnp.float32)
    fan_in = EMBED_DIM * S
    bound = 1.0 / np.sqrt(fan_in)
    conv_w = jax.random.uniform(ks[8], (EMBED_DIM, EMBED_DIM, S), minval=-bound, maxval=bound, dtype=jnp.float32)
    conv_b = jax.random.uniform(ks[9], (EMBED_DIM,), minval=-bound, maxval=bound, dtype=jnp.float32)
    return {
        'value': value, 'depth': depth, 'position': position,
        'src_value_emb': src_value_emb, 'depth_emb': depth_emb,
        'sp_emb0': sp_emb0, 'sp_emb1': sp_emb1, 'sp_emb2': sp_emb2,
        'conv_w': conv_w, 'conv_b': conv_b,
    }


def _zero_pad(table):
    # padding_idx=0: row 0 contributes zeros and receives no gradient
    return table.at[0].set(0.0)


def reference(value, depth, position, src_value_emb, depth_emb, sp_emb0, sp_emb1, sp_emb2, conv_w, conv_b):
    # source(): value embedding + depth embedding + per-axis spatial embeddings
    x = jnp.take(_zero_pad(src_value_emb), value, axis=0)
    x = x + jnp.take(_zero_pad(depth_emb), depth, axis=0)
    for i, t in enumerate((sp_emb0, sp_emb1, sp_emb2)):
        x = x + jnp.take(_zero_pad(t), position[:, :, i], axis=0)
    # x: [B, L, C] -> [B, C, L]
    xt = jnp.transpose(x, (0, 2, 1))
    y = jax.lax.conv_general_dilated(
        xt, conv_w, window_strides=(S,), padding='VALID',
        dimension_numbers=('NCH', 'OIH', 'NCH'))
    y = y + conv_b[None, :, None]
    return jnp.transpose(y, (0, 2, 1))  # [B, L // S, C]

if __name__ == "__main__":
    import jax
    _d = setup_inputs()
    print(jax.jit(kernel)(*tuple(_d.values())))

</pallas_src>

<mosaic_0001>
#map = affine_map<(d0, d1) -> (0, 0)>
#map1 = affine_map<(d0, d1) -> (0, 0, 0, 0)>
module attributes {stable_mosaic.version = 14 : i64} {
  func.func @k(%arg0: i32, %arg1: i32, %arg2: memref<4096x128xf32, #tpu.memory_space<hbm>>, %arg3: memref<32x8x4x128xi32, #tpu.memory_space<hbm>>, %arg4: memref<32768x128xf32, #tpu.memory_space<hbm>>, %arg5: memref<4096x128xf32, #tpu.memory_space<vmem_shared>>, %arg6: memref<8x4x128xi32, #tpu.memory_space<vmem>>, %arg7: memref<128x128xf32, #tpu.memory_space<vmem>>, %arg8: memref<128x128xf32, #tpu.memory_space<vmem>>, %arg9: memref<128x128xf32, #tpu.memory_space<vmem>>, %arg10: memref<128x128xf32, #tpu.memory_space<vmem>>, %arg11: memref<!tpu.dma_semaphore, #tpu.memory_space<semaphore_mem>>, %arg12: memref<!tpu.dma_semaphore, #tpu.memory_space<semaphore_mem>>, %arg13: memref<!tpu.dma_semaphore, #tpu.memory_space<semaphore_mem>>, %arg14: memref<!tpu.dma_semaphore, #tpu.memory_space<semaphore_mem>>, %arg15: memref<!tpu.dma_semaphore, #tpu.memory_space<semaphore_mem>>, %arg16: memref<!tpu.dma_semaphore, #tpu.memory_space<semaphore_mem>>, %arg17: memref<!tpu.dma_semaphore, #tpu.memory_space<semaphore_mem>>, %arg18: memref<!tpu.dma_semaphore, #tpu.memory_space<semaphore_mem>>, %arg19: memref<!tpu.dma_semaphore, #tpu.memory_space<semaphore_mem>>, %arg20: memref<!tpu.dma_semaphore, #tpu.memory_space<semaphore_mem>>, %arg21: memref<!tpu.dma_semaphore, #tpu.memory_space<semaphore_mem>>, %arg22: memref<!tpu.dma_semaphore, #tpu.memory_space<semaphore_mem>>) attributes {dimension_semantics = [#tpu.dimension_semantics<core_parallel>, #tpu.dimension_semantics<subcore_parallel>], iteration_bounds = array<i64: 2, 16>, scalar_prefetch = 0 : i64, scratch_operands = 18 : i64, tpu.core_type = #tpu.core_type<sc_vector_subcore>, window_params = [{transform_indices = #map}, {transform_indices = #map1}, {transform_indices = #map}]} {
    %mul3A = arith.constant 2 : i32
    %mul3A_0 = arith.muli %arg1, %mul3A : i32
    %add3A = arith.addi %mul3A_0, %arg0 : i32
    %mul3A_1 = arith.constant 1024 : i32
    %mul3A_2 = arith.muli %add3A, %mul3A_1 : i32
    %mul3A_3 = arith.constant 256 : i32
    %mul3A_4 = arith.muli %arg1, %mul3A_3 : i32
    %add3A_5 = arith.constant 0 : i32
    %add3A_6 = arith.addi %mul3A_4, %add3A_5 : i32
    "tpu.region"() ({
      %run_scoped3A = tpu.sem_alloc : memref<!tpu.dma_semaphore, #tpu.memory_space<semaphore_mem>>
      %dma_start3A_70 = arith.constant 0 : i32
      %dma_start3A_71 = tpu.memref_slice %arg2[%add3A_6, %dma_start3A_70] : memref<4096x128xf32, #tpu.memory_space<hbm>> -> memref<128x128xf32, #tpu.memory_space<hbm>>
      %dma_start3A_72 = arith.constant 0 : i32
      %dma_start3A_73 = tpu.memref_slice %arg2[%add3A_6, %dma_start3A_72] : memref<4096x128xf32, #tpu.memory_space<hbm>> -> memref<128x128xf32, #tpu.memory_space<hbm>>
      tpu.enqueue_dma source(%dma_start3A_73 : memref<128x128xf32, #tpu.memory_space<hbm>>) target(%arg7 : memref<128x128xf32, #tpu.memory_space<vmem>>) target_semaphore(%run_scoped3A : memref<!tpu.dma_semaphore, #tpu.memory_space<semaphore_mem>>)
      %dma_wait3A_74 = arith.constant 0 : i32
      %dma_wait3A_75 = tpu.memref_slice %arg2[%add3A_6, %dma_wait3A_74] : memref<4096x128xf32, #tpu.memory_space<hbm>> -> memref<128x128xf32, #tpu.memory_space<hbm>>
      %dma_wait3A_76 = arith.constant 0 : i32
      %dma_wait3A_77 = tpu.memref_slice %arg2[%add3A_6, %dma_wait3A_76] : memref<4096x128xf32, #tpu.memory_space<hbm>> -> memref<128x128xf32, #tpu.memory_space<hbm>>
      tpu.wait_dma2 semaphore(%run_scoped3A : memref<!tpu.dma_semaphore, #tpu.memory_space<semaphore_mem>>) src(%dma_wait3A_77 : memref<128x128xf32, #tpu.memory_space<hbm>>) dst(%arg7 : memref<128x128xf32, #tpu.memory_space<vmem>>)
      tpu.yield
    }) : () -> ()
    "tpu.region"() ({
      %run_scoped3A = tpu.sem_alloc : memref<!tpu.dma_semaphore, #tpu.memory_space<semaphore_mem>>
      %dma_start3A_70 = arith.constant 0 : i32
      %dma_start3A_71 = tpu.memref_slice %arg5[%add3A_6, %dma_start3A_70] : memref<4096x128xf32, #tpu.memory_space<vmem_shared>> -> memref<128x128xf32, #tpu.memory_space<vmem_shared>>
      %dma_start3A_72 = arith.constant 0 : i32
      %dma_start3A_73 = tpu.memref_slice %arg5[%add3A_6, %dma_start3A_72] : memref<4096x128xf32, #tpu.memory_space<vmem_shared>> -> memref<128x128xf32, #tpu.memory_space<vmem_shared>>
      tpu.enqueue_dma source(%arg7 : memref<128x128xf32, #tpu.memory_space<vmem>>) target(%dma_start3A_73 : memref<128x128xf32, #tpu.memory_space<vmem_shared>>) target_semaphore(%run_scoped3A : memref<!tpu.dma_semaphore, #tpu.memory_space<semaphore_mem>>)
      %dma_wait3A_74 = arith.constant 0 : i32
      %dma_wait3A_75 = tpu.memref_slice %arg5[%add3A_6, %dma_wait3A_74] : memref<4096x128xf32, #tpu.memory_space<vmem_shared>> -> memref<128x128xf32, #tpu.memory_space<vmem_shared>>
      %dma_wait3A_76 = arith.constant 0 : i32
      %dma_wait3A_77 = tpu.memref_slice %arg5[%add3A_6, %dma_wait3A_76] : memref<4096x128xf32, #tpu.memory_space<vmem_shared>> -> memref<128x128xf32, #tpu.memory_space<vmem_shared>>
      tpu.wait_dma2 semaphore(%run_scoped3A : memref<!tpu.dma_semaphore, #tpu.memory_space<semaphore_mem>>) src(%arg7 : memref<128x128xf32, #tpu.memory_space<vmem>>) dst(%dma_wait3A_77 : memref<128x128xf32, #tpu.memory_space<vmem_shared>>)
      tpu.yield
    }) : () -> ()
    %mul3A_7 = arith.constant 256 : i32
    %mul3A_8 = arith.muli %arg1, %mul3A_7 : i32
    %add3A_9 = arith.constant 128 : i32
    %add3A_10 = arith.addi %mul3A_8, %add3A_9 : i32
    "tpu.region"() ({
      %run_scoped3A = tpu.sem_alloc : memref<!tpu.dma_semaphore, #tpu.memory_space<semaphore_mem>>
      %dma_start3A_70 = arith.constant 0 : i32
      %dma_start3A_71 = tpu.memref_slice %arg2[%add3A_10, %dma_start3A_70] : memref<4096x128xf32, #tpu.memory_space<hbm>> -> memref<128x128xf32, #tpu.memory_space<hbm>>
      %dma_start3A_72 = arith.constant 0 : i32
      %dma_start3A_73 = tpu.memref_slice %arg2[%add3A_10, %dma_start3A_72] : memref<4096x128xf32, #tpu.memory_space<hbm>> -> memref<128x128xf32, #tpu.memory_space<hbm>>
      tpu.enqueue_dma source(%dma_start3A_73 : memref<128x128xf32, #tpu.memory_space<hbm>>) target(%arg8 : memref<128x128xf32, #tpu.memory_space<vmem>>) target_semaphore(%run_scoped3A : memref<!tpu.dma_semaphore, #tpu.memory_space<semaphore_mem>>)
      %dma_wait3A_74 = arith.constant 0 : i32
      %dma_wait3A_75 = tpu.memref_slice %arg2[%add3A_10, %dma_wait3A_74] : memref<4096x128xf32, #tpu.memory_space<hbm>> -> memref<128x128xf32, #tpu.memory_space<hbm>>
      %dma_wait3A_76 = arith.constant 0 : i32
      %dma_wait3A_77 = tpu.memref_slice %arg2[%add3A_10, %dma_wait3A_76] : memref<4096x128xf32, #tpu.memory_space<hbm>> -> memref<128x128xf32, #tpu.memory_space<hbm>>
      tpu.wait_dma2 semaphore(%run_scoped3A : memref<!tpu.dma_semaphore, #tpu.memory_space<semaphore_mem>>) src(%dma_wait3A_77 : memref<128x128xf32, #tpu.memory_space<hbm>>) dst(%arg8 : memref<128x128xf32, #tpu.memory_space<vmem>>)
      tpu.yield
    }) : () -> ()
    "tpu.region"() ({
      %run_scoped3A = tpu.sem_alloc : memref<!tpu.dma_semaphore, #tpu.memory_space<semaphore_mem>>
      %dma_start3A_70 = arith.constant 0 : i32
      %dma_start3A_71 = tpu.memref_slice %arg5[%add3A_10, %dma_start3A_70] : memref<4096x128xf32, #tpu.memory_space<vmem_shared>> -> memref<128x128xf32, #tpu.memory_space<vmem_shared>>
      %dma_start3A_72 = arith.constant 0 : i32
      %dma_start3A_73 = tpu.memref_slice %arg5[%add3A_10, %dma_start3A_72] : memref<4096x128xf32, #tpu.memory_space<vmem_shared>> -> memref<128x128xf32, #tpu.memory_space<vmem_shared>>
      tpu.enqueue_dma source(%arg8 : memref<128x128xf32, #tpu.memory_space<vmem>>) target(%dma_start3A_73 : memref<128x128xf32, #tpu.memory_space<vmem_shared>>) target_semaphore(%run_scoped3A : memref<!tpu.dma_semaphore, #tpu.memory_space<semaphore_mem>>)
      %dma_wait3A_74 = arith.constant 0 : i32
      %dma_wait3A_75 = tpu.memref_slice %arg5[%add3A_10, %dma_wait3A_74] : memref<4096x128xf32, #tpu.memory_space<vmem_shared>> -> memref<128x128xf32, #tpu.memory_space<vmem_shared>>
      %dma_wait3A_76 = arith.constant 0 : i32
      %dma_wait3A_77 = tpu.memref_slice %arg5[%add3A_10, %dma_wait3A_76] : memref<4096x128xf32, #tpu.memory_space<vmem_shared>> -> memref<128x128xf32, #tpu.memory_space<vmem_shared>>
      tpu.wait_dma2 semaphore(%run_scoped3A : memref<!tpu.dma_semaphore, #tpu.memory_space<semaphore_mem>>) src(%arg8 : memref<128x128xf32, #tpu.memory_space<vmem>>) dst(%dma_wait3A_77 : memref<128x128xf32, #tpu.memory_space<vmem_shared>>)
      tpu.yield
    }) : () -> ()
    "tpu.region"() ({
      %run_scoped3A = tpu.sem_alloc : memref<!tpu.dma_semaphore, #tpu.memory_space<semaphore_mem>>
      %dma_start3A_70 = arith.constant 0 : i32
      %dma_start3A_71 = arith.constant 0 : i32
      %dma_start3A_72 = arith.constant 0 : i32
      %dma_start3A_73 = tpu.memref_slice %arg3[%add3A, %dma_start3A_70, %dma_start3A_71, %dma_start3A_72] : memref<32x8x4x128xi32, #tpu.memory_space<hbm>> -> memref<1x8x4x128xi32, #tpu.memory_space<hbm>>
      %dma_start3A_74 = tpu.memref_squeeze %dma_start3A_73 : memref<1x8x4x128xi32, #tpu.memory_space<hbm>> -> memref<8x4x128xi32, #tpu.memory_space<hbm>>
      %dma_start3A_75 = arith.constant 0 : i32
      %dma_start3A_76 = arith.constant 0 : i32
      %dma_start3A_77 = arith.constant 0 : i32
      %dma_start3A_78 = tpu.memref_slice %arg3[%add3A, %dma_start3A_75, %dma_start3A_76, %dma_start3A_77] : memref<32x8x4x128xi32, #tpu.memory_space<hbm>> -> memref<1x8x4x128xi32, #tpu.memory_space<hbm>>
      %dma_start3A_79 = tpu.memref_squeeze %dma_start3A_78 : memref<1x8x4x128xi32, #tpu.memory_space<hbm>> -> memref<8x4x128xi32, #tpu.memory_space<hbm>>
      tpu.enqueue_dma source(%dma_start3A_79 : memref<8x4x128xi32, #tpu.memory_space<hbm>>) target(%arg6 : memref<8x4x128xi32, #tpu.memory_space<vmem>>) target_semaphore(%run_scoped3A : memref<!tpu.dma_semaphore, #tpu.memory_space<semaphore_mem>>)
      %dma_wait3A_80 = arith.constant 0 : i32
      %dma_wait3A_81 = arith.constant 0 : i32
      %dma_wait3A_82 = arith.constant 0 : i32
      %dma_wait3A_83 = tpu.memref_slice %arg3[%add3A, %dma_wait3A_80, %dma_wait3A_81, %dma_wait3A_82] : memref<32x8x4x128xi32, #tpu.memory_space<hbm>> -> memref<1x8x4x128xi32, #tpu.memory_space<hbm>>
      %dma_wait3A_84 = tpu.memref_squeeze %dma_wait3A_83 : memref<1x8x4x128xi32, #tpu.memory_space<hbm>> -> memref<8x4x128xi32, #tpu.memory_space<hbm>>
      %dma_wait3A_85 = arith.constant 0 : i32
      %dma_wait3A_86 = arith.constant 0 : i32
      %dma_wait3A_87 = arith.constant 0 : i32
      %dma_wait3A_88 = tpu.memref_slice %arg3[%add3A, %dma_wait3A_85, %dma_wait3A_86, %dma_wait3A_87] : memref<32x8x4x128xi32, #tpu.memory_space<hbm>> -> memref<1x8x4x128xi32, #tpu.memory_space<hbm>>
      %dma_wait3A_89 = tpu.memref_squeeze %dma_wait3A_88 : memref<1x8x4x128xi32, #tpu.memory_space<hbm>> -> memref<8x4x128xi32, #tpu.memory_space<hbm>>
      tpu.wait_dma2 semaphore(%run_scoped3A : memref<!tpu.dma_semaphore, #tpu.memory_space<semaphore_mem>>) src(%dma_wait3A_89 : memref<8x4x128xi32, #tpu.memory_space<hbm>>) dst(%arg6 : memref<8x4x128xi32, #tpu.memory_space<vmem>>)
      tpu.yield
    }) : () -> ()
    %barrier3A = arith.constant 0 : index
    tpu.barrier barrier_id(%barrier3A)
    %dma_start3A = arith.constant 0 : i32
    %dma_start3A_11 = arith.constant 0 : i32
    %dma_start3A_12 = arith.constant 0 : i32
    %dma_start3A_13 = tpu.memref_slice %arg6[%dma_start3A, %dma_start3A_11, %dma_start3A_12] : memref<8x4x128xi32, #tpu.memory_space<vmem>> -> memref<1x1x128xi32, #tpu.memory_space<vmem>>
    %dma_start3A_14 = tpu.memref_squeeze %dma_start3A_13 : memref<1x1x128xi32, #tpu.memory_space<vmem>> -> memref<128xi32, #tpu.memory_space<vmem>>
    %dma_start3A_15 = arith.constant 0 : i32
    %dma_start3A_16 = arith.constant 0 : i32
    %dma_start3A_17 = tpu.memref_slice %arg5[%dma_start3A_15, %dma_start3A_16] : memref<4096x128xf32, #tpu.memory_space<vmem_shared>> -> memref<4096x128xf32, #tpu.memory_space<vmem_shared>>
    tpu.enqueue_indirect_dma source(%dma_start3A_17 : memref<4096x128xf32, #tpu.memory_space<vmem_shared>>) target(%arg7 : memref<128x128xf32, #tpu.memory_space<vmem>>) offsets(%dma_start3A_14 : memref<128xi32, #tpu.memory_space<vmem>>) semaphore(%arg11 : memref<!tpu.dma_semaphore, #tpu.memory_space<semaphore_mem>>)
    %dma_start3A_18 = arith.constant 1 : i32
    %dma_start3A_19 = arith.constant 0 : i32
    %dma_start3A_20 = arith.constant 0 : i32
    %dma_start3A_21 = tpu.memref_slice %arg6[%dma_start3A_18, %dma_start3A_19, %dma_start3A_20] : memref<8x4x128xi32, #tpu.memory_space<vmem>> -> memref<1x1x128xi32, #tpu.memory_space<vmem>>
    %dma_start3A_22 = tpu.memref_squeeze %dma_start3A_21 : memref<1x1x128xi32, #tpu.memory_space<vmem>> -> memref<128xi32, #tpu.memory_space<vmem>>
    %dma_start3A_23 = arith.constant 0 : i32
    %dma_start3A_24 = arith.constant 0 : i32
    %dma_start3A_25 = tpu.memref_slice %arg5[%dma_start3A_23, %dma_start3A_24] : memref<4096x128xf32, #tpu.memory_space<vmem_shared>> -> memref<4096x128xf32, #tpu.memory_space<vmem_shared>>
    tpu.enqueue_indirect_dma source(%dma_start3A_25 : memref<4096x128xf32, #tpu.memory_space<vmem_shared>>) target(%arg8 : memref<128x128xf32, #tpu.memory_space<vmem>>) offsets(%dma_start3A_22 : memref<128xi32, #tpu.memory_space<vmem>>) semaphore(%arg12 : memref<!tpu.dma_semaphore, #tpu.memory_space<semaphore_mem>>)
    %dma_start3A_26 = arith.constant 2 : i32
    %dma_start3A_27 = arith.constant 0 : i32
    %dma_start3A_28 = arith.constant 0 : i32
    %dma_start3A_29 = tpu.memref_slice %arg6[%dma_start3A_26, %dma_start3A_27, %dma_start3A_28] : memref<8x4x128xi32, #tpu.memory_space<vmem>> -> memref<1x1x128xi32, #tpu.memory_space<vmem>>
    %dma_start3A_30 = tpu.memref_squeeze %dma_start3A_29 : memref<1x1x128xi32, #tpu.memory_space<vmem>> -> memref<128xi32, #tpu.memory_space<vmem>>
    %dma_start3A_31 = arith.constant 0 : i32
    %dma_start3A_32 = arith.constant 0 : i32
    %dma_start3A_33 = tpu.memref_slice %arg5[%dma_start3A_31, %dma_start3A_32] : memref<4096x128xf32, #tpu.memory_space<vmem_shared>> -> memref<4096x128xf32, #tpu.memory_space<vmem_shared>>
    tpu.enqueue_indirect_dma source(%dma_start3A_33 : memref<4096x128xf32, #tpu.memory_space<vmem_shared>>) target(%arg9 : memref<128x128xf32, #tpu.memory_space<vmem>>) offsets(%dma_start3A_30 : memref<128xi32, #tpu.memory_space<vmem>>) semaphore(%arg13 : memref<!tpu.dma_semaphore, #tpu.memory_space<semaphore_mem>>)
    %dma_start3A_34 = arith.constant 3 : i32
    %dma_start3A_35 = arith.constant 0 : i32
    %dma_start3A_36 = arith.constant 0 : i32
    %dma_start3A_37 = tpu.memref_slice %arg6[%dma_start3A_34, %dma_start3A_35, %dma_start3A_36] : memref<8x4x128xi32, #tpu.memory_space<vmem>> -> memref<1x1x128xi32, #tpu.memory_space<vmem>>
    %dma_start3A_38 = tpu.memref_squeeze %dma_start3A_37 : memref<1x1x128xi32, #tpu.memory_space<vmem>> -> memref<128xi32, #tpu.memory_space<vmem>>
    %dma_start3A_39 = arith.constant 0 : i32
    %dma_start3A_40 = arith.constant 0 : i32
    %dma_start3A_41 = tpu.memref_slice %arg5[%dma_start3A_39, %dma_start3A_40] : memref<4096x128xf32, #tpu.memory_space<vmem_shared>> -> memref<4096x128xf32, #tpu.memory_space<vmem_shared>>
    tpu.enqueue_indirect_dma source(%dma_start3A_41 : memref<4096x128xf32, #tpu.memory_space<vmem_shared>>) target(%arg10 : memref<128x128xf32, #tpu.memory_space<vmem>>) offsets(%dma_start3A_38 : memref<128xi32, #tpu.memory_space<vmem>>) semaphore(%arg14 : memref<!tpu.dma_semaphore, #tpu.memory_space<semaphore_mem>>)
    %scan3A = arith.constant 0 : i32
    %scan3A_42 = arith.constant 0 : i32
    %scan3A_43 = arith.constant 2 : i32
    %scan3A_44 = arith.addi %scan3A_42, %scan3A_43 : i32
    %scan3A_45 = arith.constant 1 : i32
    scf.for %scan3A_70 = %scan3A_42 to %scan3A_44 step %scan3A_45  : i32 {
      %mul3A_71 = arith.constant 4 : i32
      %mul3A_72 = arith.muli %scan3A_70, %mul3A_71 : i32
      %add3A_73 = arith.constant 0 : i32
      %add3A_74 = arith.addi %mul3A_72, %add3A_73 : i32
      %dma_wait3A_75 = arith.constant 0 : i32
      %dma_wait3A_76 = arith.constant 0 : i32
      %dma_wait3A_77 = tpu.memref_slice %arg6[%add3A_74, %dma_wait3A_75, %dma_wait3A_76] : memref<8x4x128xi32, #tpu.memory_space<vmem>> -> memref<1x1x128xi32, #tpu.memory_space<vmem>>
      %dma_wait3A_78 = tpu.memref_squeeze %dma_wait3A_77 : memref<1x1x128xi32, #tpu.memory_space<vmem>> -> memref<128xi32, #tpu.memory_space<vmem>>
      %dma_wait3A_79 = arith.constant 0 : i32
      %dma_wait3A_80 = arith.constant 0 : i32
      %dma_wait3A_81 = tpu.memref_slice %arg5[%dma_wait3A_79, %dma_wait3A_80] : memref<4096x128xf32, #tpu.memory_space<vmem_shared>> -> memref<4096x128xf32, #tpu.memory_space<vmem_shared>>
      tpu.wait_indirect_dma semaphore(%arg11 : memref<!tpu.dma_semaphore, #tpu.memory_space<semaphore_mem>>) src(%dma_wait3A_81 : memref<4096x128xf32, #tpu.memory_space<vmem_shared>>) dst(%arg7 : memref<128x128xf32, #tpu.memory_space<vmem>>)
      %dma_start3A_82 = arith.constant 1 : i32
      %dma_start3A_83 = arith.constant 0 : i32
      %dma_start3A_84 = tpu.memref_slice %arg6[%add3A_74, %dma_start3A_82, %dma_start3A_83] : memref<8x4x128xi32, #tpu.memory_space<vmem>> -> memref<1x1x128xi32, #tpu.memory_space<vmem>>
      %dma_start3A_85 = tpu.memref_squeeze %dma_start3A_84 : memref<1x1x128xi32, #tpu.memory_space<vmem>> -> memref<128xi32, #tpu.memory_space<vmem>>
      %dma_start3A_86 = arith.constant 0 : i32
      %dma_start3A_87 = arith.constant 0 : i32
      %dma_start3A_88 = tpu.memref_slice %arg5[%dma_start3A_86, %dma_start3A_87] : memref<4096x128xf32, #tpu.memory_space<vmem_shared>> -> memref<4096x128xf32, #tpu.memory_space<vmem_shared>>
      tpu.enqueue_indirect_dma source(%dma_start3A_88 : memref<4096x128xf32, #tpu.memory_space<vmem_shared>>) target(%arg7 : memref<128x128xf32, #tpu.memory_space<vmem>>) offsets(%dma_start3A_85 : memref<128xi32, #tpu.memory_space<vmem>>) semaphore(%arg15 : memref<!tpu.dma_semaphore, #tpu.memory_space<semaphore_mem>>) {add = true}
      %dma_start3A_89 = arith.constant 2 : i32
      %dma_start3A_90 = arith.constant 0 : i32
      %dma_start3A_91 = tpu.memref_slice %arg6[%add3A_74, %dma_start3A_89, %dma_start3A_90] : memref<8x4x128xi32, #tpu.memory_space<vmem>> -> memref<1x1x128xi32, #tpu.memory_space<vmem>>
      %dma_start3A_92 = tpu.memref_squeeze %dma_start3A_91 : memref<1x1x128xi32, #tpu.memory_space<vmem>> -> memref<128xi32, #tpu.memory_space<vmem>>
      %dma_start3A_93 = arith.constant 0 : i32
      %dma_start3A_94 = arith.constant 0 : i32
      %dma_start3A_95 = tpu.memref_slice %arg5[%dma_start3A_93, %dma_start3A_94] : memref<4096x128xf32, #tpu.memory_space<vmem_shared>> -> memref<4096x128xf32, #tpu.memory_space<vmem_shared>>
      tpu.enqueue_indirect_dma source(%dma_start3A_95 : memref<4096x128xf32, #tpu.memory_space<vmem_shared>>) target(%arg7 : memref<128x128xf32, #tpu.memory_space<vmem>>) offsets(%dma_start3A_92 : memref<128xi32, #tpu.memory_space<vmem>>) semaphore(%arg15 : memref<!tpu.dma_semaphore, #tpu.memory_space<semaphore_mem>>) {add = true}
      %dma_start3A_96 = arith.constant 3 : i32
      %dma_start3A_97 = arith.constant 0 : i32
      %dma_start3A_98 = tpu.memref_slice %arg6[%add3A_74, %dma_start3A_96, %dma_start3A_97] : memref<8x4x128xi32, #tpu.memory_space<vmem>> -> memref<1x1x128xi32, #tpu.memory_space<vmem>>
      %dma_start3A_99 = tpu.memref_squeeze %dma_start3A_98 : memref<1x1x128xi32, #tpu.memory_space<vmem>> -> memref<128xi32, #tpu.memory_space<vmem>>
      %dma_start3A_100 = arith.constant 0 : i32
      %dma_start3A_101 = arith.constant 0 : i32
      %dma_start3A_102 = tpu.memref_slice %arg5[%dma_start3A_100, %dma_start3A_101] : memref<4096x128xf32, #tpu.memory_space<vmem_shared>> -> memref<4096x128xf32, #tpu.memory_space<vmem_shared>>
      tpu.enqueue_indirect_dma source(%dma_start3A_102 : memref<4096x128xf32, #tpu.memory_space<vmem_shared>>) target(%arg7 : memref<128x128xf32, #tpu.memory_space<vmem>>) offsets(%dma_start3A_99 : memref<128xi32, #tpu.memory_space<vmem>>) semaphore(%arg15 : memref<!tpu.dma_semaphore, #tpu.memory_space<semaphore_mem>>) {add = true}
      %mul3A_103 = arith.constant 4 : i32
      %mul3A_104 = arith.muli %scan3A_70, %mul3A_103 : i32
      %add3A_105 = arith.constant 1 : i32
      %add3A_106 = arith.addi %mul3A_104, %add3A_105 : i32
      %dma_wait3A_107 = arith.constant 0 : i32
      %dma_wait3A_108 = arith.constant 0 : i32
      %dma_wait3A_109 = tpu.memref_slice %arg6[%add3A_106, %dma_wait3A_107, %dma_wait3A_108] : memref<8x4x128xi32, #tpu.memory_space<vmem>> -> memref<1x1x128xi32, #tpu.memory_space<vmem>>
      %dma_wait3A_110 = tpu.memref_squeeze %dma_wait3A_109 : memref<1x1x128xi32, #tpu.memory_space<vmem>> -> memref<128xi32, #tpu.memory_space<vmem>>
      %dma_wait3A_111 = arith.constant 0 : i32
      %dma_wait3A_112 = arith.constant 0 : i32
      %dma_wait3A_113 = tpu.memref_slice %arg5[%dma_wait3A_111, %dma_wait3A_112] : memref<4096x128xf32, #tpu.memory_space<vmem_shared>> -> memref<4096x128xf32, #tpu.memory_space<vmem_shared>>
      tpu.wait_indirect_dma semaphore(%arg12 : memref<!tpu.dma_semaphore, #tpu.memory_space<semaphore_mem>>) src(%dma_wait3A_113 : memref<4096x128xf32, #tpu.memory_space<vmem_shared>>) dst(%arg8 : memref<128x128xf32, #tpu.memory_space<vmem>>)
      %dma_start3A_114 = arith.constant 1 : i32
      %dma_start3A_115 = arith.constant 0 : i32
      %dma_start3A_116 = tpu.memref_slice %arg6[%add3A_106, %dma_start3A_114, %dma_start3A_115] : memref<8x4x128xi32, #tpu.memory_space<vmem>> -> memref<1x1x128xi32, #tpu.memory_space<vmem>>
      %dma_start3A_117 = tpu.memref_squeeze %dma_start3A_116 : memref<1x1x128xi32, #tpu.memory_space<vmem>> -> memref<128xi32, #tpu.memory_space<vmem>>
      %dma_start3A_118 = arith.constant 0 : i32
      %dma_start3A_119 = arith.constant 0 : i32
      %dma_start3A_120 = tpu.memref_slice %arg5[%dma_start3A_118, %dma_start3A_119] : memref<4096x128xf32, #tpu.memory_space<vmem_shared>> -> memref<4096x128xf32, #tpu.memory_space<vmem_shared>>
      tpu.enqueue_indirect_dma source(%dma_start3A_120 : memref<4096x128xf32, #tpu.memory_space<vmem_shared>>) target(%arg8 : memref<128x128xf32, #tpu.memory_space<vmem>>) offsets(%dma_start3A_117 : memref<128xi32, #tpu.memory_space<vmem>>) semaphore(%arg16 : memref<!tpu.dma_semaphore, #tpu.memory_space<semaphore_mem>>) {add = true}
      %dma_start3A_121 = arith.constant 2 : i32
      %dma_start3A_122 = arith.constant 0 : i32
      %dma_start3A_123 = tpu.memref_slice %arg6[%add3A_106, %dma_start3A_121, %dma_start3A_122] : memref<8x4x128xi32, #tpu.memory_space<vmem>> -> memref<1x1x128xi32, #tpu.memory_space<vmem>>
      %dma_start3A_124 = tpu.memref_squeeze %dma_start3A_123 : memref<1x1x128xi32, #tpu.memory_space<vmem>> -> memref<128xi32, #tpu.memory_space<vmem>>
      %dma_start3A_125 = arith.constant 0 : i32
      %dma_start3A_126 = arith.constant 0 : i32
      %dma_start3A_127 = tpu.memref_slice %arg5[%dma_start3A_125, %dma_start3A_126] : memref<4096x128xf32, #tpu.memory_space<vmem_shared>> -> memref<4096x128xf32, #tpu.memory_space<vmem_shared>>
      tpu.enqueue_indirect_dma source(%dma_start3A_127 : memref<4096x128xf32, #tpu.memory_space<vmem_shared>>) target(%arg8 : memref<128x128xf32, #tpu.memory_space<vmem>>) offsets(%dma_start3A_124 : memref<128xi32, #tpu.memory_space<vmem>>) semaphore(%arg16 : memref<!tpu.dma_semaphore, #tpu.memory_space<semaphore_mem>>) {add = true}
      %dma_start3A_128 = arith.constant 3 : i32
      %dma_start3A_129 = arith.constant 0 : i32
      %dma_start3A_130 = tpu.memref_slice %arg6[%add3A_106, %dma_start3A_128, %dma_start3A_129] : memref<8x4x128xi32, #tpu.memory_space<vmem>> -> memref<1x1x128xi32, #tpu.memory_space<vmem>>
      %dma_start3A_131 = tpu.memref_squeeze %dma_start3A_130 : memref<1x1x128xi32, #tpu.memory_space<vmem>> -> memref<128xi32, #tpu.memory_space<vmem>>
      %dma_start3A_132 = arith.constant 0 : i32
      %dma_start3A_133 = arith.constant 0 : i32
      %dma_start3A_134 = tpu.memref_slice %arg5[%dma_start3A_132, %dma_start3A_133] : memref<4096x128xf32, #tpu.memory_space<vmem_shared>> -> memref<4096x128xf32, #tpu.memory_space<vmem_shared>>
      tpu.enqueue_indirect_dma source(%dma_start3A_134 : memref<4096x128xf32, #tpu.memory_space<vmem_shared>>) target(%arg8 : memref<128x128xf32, #tpu.memory_space<vmem>>) offsets(%dma_start3A_131 : memref<128xi32, #tpu.memory_space<vmem>>) semaphore(%arg16 : memref<!tpu.dma_semaphore, #tpu.memory_space<semaphore_mem>>) {add = true}
      %mul3A_135 = arith.constant 4 : i32
      %mul3A_136 = arith.muli %scan3A_70, %mul3A_135 : i32
      %add3A_137 = arith.constant 2 : i32
      %add3A_138 = arith.addi %mul3A_136, %add3A_137 : i32
      %dma_wait3A_139 = arith.constant 0 : i32
      %dma_wait3A_140 = arith.constant 0 : i32
      %dma_wait3A_141 = tpu.memref_slice %arg6[%add3A_138, %dma_wait3A_139, %dma_wait3A_140] : memref<8x4x128xi32, #tpu.memory_space<vmem>> -> memref<1x1x128xi32, #tpu.memory_space<vmem>>
      %dma_wait3A_142 = tpu.memref_squeeze %dma_wait3A_141 : memref<1x1x128xi32, #tpu.memory_space<vmem>> -> memref<128xi32, #tpu.memory_space<vmem>>
      %dma_wait3A_143 = arith.constant 0 : i32
      %dma_wait3A_144 = arith.constant 0 : i32
      %dma_wait3A_145 = tpu.memref_slice %arg5[%dma_wait3A_143, %dma_wait3A_144] : memref<4096x128xf32, #tpu.memory_space<vmem_shared>> -> memref<4096x128xf32, #tpu.memory_space<vmem_shared>>
      tpu.wait_indirect_dma semaphore(%arg13 : memref<!tpu.dma_semaphore, #tpu.memory_space<semaphore_mem>>) src(%dma_wait3A_145 : memref<4096x128xf32, #tpu.memory_space<vmem_shared>>) dst(%arg9 : memref<128x128xf32, #tpu.memory_space<vmem>>)
      %dma_start3A_146 = arith.constant 1 : i32
      %dma_start3A_147 = arith.constant 0 : i32
      %dma_start3A_148 = tpu.memref_slice %arg6[%add3A_138, %dma_start3A_146, %dma_start3A_147] : memref<8x4x128xi32, #tpu.memory_space<vmem>> -> memref<1x1x128xi32, #tpu.memory_space<vmem>>
      %dma_start3A_149 = tpu.memref_squeeze %dma_start3A_148 : memref<1x1x128xi32, #tpu.memory_space<vmem>> -> memref<128xi32, #tpu.memory_space<vmem>>
      %dma_start3A_150 = arith.constant 0 : i32
      %dma_start3A_151 = arith.constant 0 : i32
      %dma_start3A_152 = tpu.memref_slice %arg5[%dma_start3A_150, %dma_start3A_151] : memref<4096x128xf32, #tpu.memory_space<vmem_shared>> -> memref<4096x128xf32, #tpu.memory_space<vmem_shared>>
      tpu.enqueue_indirect_dma source(%dma_start3A_152 : memref<4096x128xf32, #tpu.memory_space<vmem_shared>>) target(%arg9 : memref<128x128xf32, #tpu.memory_space<vmem>>) offsets(%dma_start3A_149 : memref<128xi32, #tpu.memory_space<vmem>>) semaphore(%arg17 : memref<!tpu.dma_semaphore, #tpu.memory_space<semaphore_mem>>) {add = true}
      %dma_start3A_153 = arith.constant 2 : i32
      %dma_start3A_154 = arith.constant 0 : i32
      %dma_start3A_155 = tpu.memref_slice %arg6[%add3A_138, %dma_start3A_153, %dma_start3A_154] : memref<8x4x128xi32, #tpu.memory_space<vmem>> -> memref<1x1x128xi32, #tpu.memory_space<vmem>>
      %dma_start3A_156 = tpu.memref_squeeze %dma_start3A_155 : memref<1x1x128xi32, #tpu.memory_space<vmem>> -> memref<128xi32, #tpu.memory_space<vmem>>
      %dma_start3A_157 = arith.constant 0 : i32
      %dma_start3A_158 = arith.constant 0 : i32
      %dma_start3A_159 = tpu.memref_slice %arg5[%dma_start3A_157, %dma_start3A_158] : memref<4096x128xf32, #tpu.memory_space<vmem_shared>> -> memref<4096x128xf32, #tpu.memory_space<vmem_shared>>
      tpu.enqueue_indirect_dma source(%dma_start3A_159 : memref<4096x128xf32, #tpu.memory_space<vmem_shared>>) target(%arg9 : memref<128x128xf32, #tpu.memory_space<vmem>>) offsets(%dma_start3A_156 : memref<128xi32, #tpu.memory_space<vmem>>) semaphore(%arg17 : memref<!tpu.dma_semaphore, #tpu.memory_space<semaphore_mem>>) {add = true}
      %dma_start3A_160 = arith.constant 3 : i32
      %dma_start3A_161 = arith.constant 0 : i32
      %dma_start3A_162 = tpu.memref_slice %arg6[%add3A_138, %dma_start3A_160, %dma_start3A_161] : memref<8x4x128xi32, #tpu.memory_space<vmem>> -> memref<1x1x128xi32, #tpu.memory_space<vmem>>
      %dma_start3A_163 = tpu.memref_squeeze %dma_start3A_162 : memref<1x1x128xi32, #tpu.memory_space<vmem>> -> memref<128xi32, #tpu.memory_space<vmem>>
      %dma_start3A_164 = arith.constant 0 : i32
      %dma_start3A_165 = arith.constant 0 : i32
      %dma_start3A_166 = tpu.memref_slice %arg5[%dma_start3A_164, %dma_start3A_165] : memref<4096x128xf32, #tpu.memory_space<vmem_shared>> -> memref<4096x128xf32, #tpu.memory_space<vmem_shared>>
      tpu.enqueue_indirect_dma source(%dma_start3A_166 : memref<4096x128xf32, #tpu.memory_space<vmem_shared>>) target(%arg9 : memref<128x128xf32, #tpu.memory_space<vmem>>) offsets(%dma_start3A_163 : memref<128xi32, #tpu.memory_space<vmem>>) semaphore(%arg17 : memref<!tpu.dma_semaphore, #tpu.memory_space<semaphore_mem>>) {add = true}
      %mul3A_167 = arith.constant 4 : i32
      %mul3A_168 = arith.muli %scan3A_70, %mul3A_167 : i32
      %add3A_169 = arith.constant 3 : i32
      %add3A_170 = arith.addi %mul3A_168, %add3A_169 : i32
      %dma_wait3A_171 = arith.constant 0 : i32
      %dma_wait3A_172 = arith.constant 0 : i32
      %dma_wait3A_173 = tpu.memref_slice %arg6[%add3A_170, %dma_wait3A_171, %dma_wait3A_172] : memref<8x4x128xi32, #tpu.memory_space<vmem>> -> memref<1x1x128xi32, #tpu.memory_space<vmem>>
      %dma_wait3A_174 = tpu.memref_squeeze %dma_wait3A_173 : memref<1x1x128xi32, #tpu.memory_space<vmem>> -> memref<128xi32, #tpu.memory_space<vmem>>
      %dma_wait3A_175 = arith.constant 0 : i32
      %dma_wait3A_176 = arith.constant 0 : i32
      %dma_wait3A_177 = tpu.memref_slice %arg5[%dma_wait3A_175, %dma_wait3A_176] : memref<4096x128xf32, #tpu.memory_space<vmem_shared>> -> memref<4096x128xf32, #tpu.memory_space<vmem_shared>>
      tpu.wait_indirect_dma semaphore(%arg14 : memref<!tpu.dma_semaphore, #tpu.memory_space<semaphore_mem>>) src(%dma_wait3A_177 : memref<4096x128xf32, #tpu.memory_space<vmem_shared>>) dst(%arg10 : memref<128x128xf32, #tpu.memory_space<vmem>>)
      %dma_start3A_178 = arith.constant 1 : i32
      %dma_start3A_179 = arith.constant 0 : i32
      %dma_start3A_180 = tpu.memref_slice %arg6[%add3A_170, %dma_start3A_178, %dma_start3A_179] : memref<8x4x128xi32, #tpu.memory_space<vmem>> -> memref<1x1x128xi32, #tpu.memory_space<vmem>>
      %dma_start3A_181 = tpu.memref_squeeze %dma_start3A_180 : memref<1x1x128xi32, #tpu.memory_space<vmem>> -> memref<128xi32, #tpu.memory_space<vmem>>
      %dma_start3A_182 = arith.constant 0 : i32
      %dma_start3A_183 = arith.constant 0 : i32
      %dma_start3A_184 = tpu.memref_slice %arg5[%dma_start3A_182, %dma_start3A_183] : memref<4096x128xf32, #tpu.memory_space<vmem_shared>> -> memref<4096x128xf32, #tpu.memory_space<vmem_shared>>
      tpu.enqueue_indirect_dma source(%dma_start3A_184 : memref<4096x128xf32, #tpu.memory_space<vmem_shared>>) target(%arg10 : memref<128x128xf32, #tpu.memory_space<vmem>>) offsets(%dma_start3A_181 : memref<128xi32, #tpu.memory_space<vmem>>) semaphore(%arg18 : memref<!tpu.dma_semaphore, #tpu.memory_space<semaphore_mem>>) {add = true}
      %dma_start3A_185 = arith.constant 2 : i32
      %dma_start3A_186 = arith.constant 0 : i32
      %dma_start3A_187 = tpu.memref_slice %arg6[%add3A_170, %dma_start3A_185, %dma_start3A_186] : memref<8x4x128xi32, #tpu.memory_space<vmem>> -> memref<1x1x128xi32, #tpu.memory_space<vmem>>
      %dma_start3A_188 = tpu.memref_squeeze %dma_start3A_187 : memref<1x1x128xi32, #tpu.memory_space<vmem>> -> memref<128xi32, #tpu.memory_space<vmem>>
      %dma_start3A_189 = arith.constant 0 : i32
      %dma_start3A_190 = arith.constant 0 : i32
      %dma_start3A_191 = tpu.memref_slice %arg5[%dma_start3A_189, %dma_start3A_190] : memref<4096x128xf32, #tpu.memory_space<vmem_shared>> -> memref<4096x128xf32, #tpu.memory_space<vmem_shared>>
      tpu.enqueue_indirect_dma source(%dma_start3A_191 : memref<4096x128xf32, #tpu.memory_space<vmem_shared>>) target(%arg10 : memref<128x128xf32, #tpu.memory_space<vmem>>) offsets(%dma_start3A_188 : memref<128xi32, #tpu.memory_space<vmem>>) semaphore(%arg18 : memref<!tpu.dma_semaphore, #tpu.memory_space<semaphore_mem>>) {add = true}
      %dma_start3A_192 = arith.constant 3 : i32
      %dma_start3A_193 = arith.constant 0 : i32
      %dma_start3A_194 = tpu.memref_slice %arg6[%add3A_170, %dma_start3A_192, %dma_start3A_193] : memref<8x4x128xi32, #tpu.memory_space<vmem>> -> memref<1x1x128xi32, #tpu.memory_space<vmem>>
      %dma_start3A_195 = tpu.memref_squeeze %dma_start3A_194 : memref<1x1x128xi32, #tpu.memory_space<vmem>> -> memref<128xi32, #tpu.memory_space<vmem>>
      %dma_start3A_196 = arith.constant 0 : i32
      %dma_start3A_197 = arith.constant 0 : i32
      %dma_start3A_198 = tpu.memref_slice %arg5[%dma_start3A_196, %dma_start3A_197] : memref<4096x128xf32, #tpu.memory_space<vmem_shared>> -> memref<4096x128xf32, #tpu.memory_space<vmem_shared>>
      tpu.enqueue_indirect_dma source(%dma_start3A_198 : memref<4096x128xf32, #tpu.memory_space<vmem_shared>>) target(%arg10 : memref<128x128xf32, #tpu.memory_space<vmem>>) offsets(%dma_start3A_195 : memref<128xi32, #tpu.memory_space<vmem>>) semaphore(%arg18 : memref<!tpu.dma_semaphore, #tpu.memory_space<semaphore_mem>>) {add = true}
      %mul3A_199 = arith.constant 4 : i32
      %mul3A_200 = arith.muli %scan3A_70, %mul3A_199 : i32
      %add3A_201 = arith.constant 0 : i32
      %add3A_202 = arith.addi %mul3A_200, %add3A_201 : i32
      %dma_wait3A_203 = arith.constant 1 : i32
      %dma_wait3A_204 = arith.constant 0 : i32
      %dma_wait3A_205 = tpu.memref_slice %arg6[%add3A_202, %dma_wait3A_203, %dma_wait3A_204] : memref<8x4x128xi32, #tpu.memory_space<vmem>> -> memref<1x1x128xi32, #tpu.memory_space<vmem>>
      %dma_wait3A_206 = tpu.memref_squeeze %dma_wait3A_205 : memref<1x1x128xi32, #tpu.memory_space<vmem>> -> memref<128xi32, #tpu.memory_space<vmem>>
      %dma_wait3A_207 = arith.constant 0 : i32
      %dma_wait3A_208 = arith.constant 0 : i32
      %dma_wait3A_209 = tpu.memref_slice %arg5[%dma_wait3A_207, %dma_wait3A_208] : memref<4096x128xf32, #tpu.memory_space<vmem_shared>> -> memref<4096x128xf32, #tpu.memory_space<vmem_shared>>
      tpu.wait_indirect_dma semaphore(%arg15 : memref<!tpu.dma_semaphore, #tpu.memory_space<semaphore_mem>>) src(%dma_wait3A_209 : memref<4096x128xf32, #tpu.memory_space<vmem_shared>>) dst(%arg7 : memref<128x128xf32, #tpu.memory_space<vmem>>)
      %dma_wait3A_210 = arith.constant 2 : i32
      %dma_wait3A_211 = arith.constant 0 : i32
      %dma_wait3A_212 = tpu.memref_slice %arg6[%add3A_202, %dma_wait3A_210, %dma_wait3A_211] : memref<8x4x128xi32, #tpu.memory_space<vmem>> -> memref<1x1x128xi32, #tpu.memory_space<vmem>>
      %dma_wait3A_213 = tpu.memref_squeeze %dma_wait3A_212 : memref<1x1x128xi32, #tpu.memory_space<vmem>> -> memref<128xi32, #tpu.memory_space<vmem>>
      %dma_wait3A_214 = arith.constant 0 : i32
      %dma_wait3A_215 = arith.constant 0 : i32
      %dma_wait3A_216 = tpu.memref_slice %arg5[%dma_wait3A_214, %dma_wait3A_215] : memref<4096x128xf32, #tpu.memory_space<vmem_shared>> -> memref<4096x128xf32, #tpu.memory_space<vmem_shared>>
      tpu.wait_indirect_dma semaphore(%arg15 : memref<!tpu.dma_semaphore, #tpu.memory_space<semaphore_mem>>) src(%dma_wait3A_216 : memref<4096x128xf32, #tpu.memory_space<vmem_shared>>) dst(%arg7 : memref<128x128xf32, #tpu.memory_space<vmem>>)
      %dma_wait3A_217 = arith.constant 3 : i32
      %dma_wait3A_218 = arith.constant 0 : i32
      %dma_wait3A_219 = tpu.memref_slice %arg6[%add3A_202, %dma_wait3A_217, %dma_wait3A_218] : memref<8x4x128xi32, #tpu.memory_space<vmem>> -> memref<1x1x128xi32, #tpu.memory_space<vmem>>
      %dma_wait3A_220 = tpu.memref_squeeze %dma_wait3A_219 : memref<1x1x128xi32, #tpu.memory_space<vmem>> -> memref<128xi32, #tpu.memory_space<vmem>>
      %dma_wait3A_221 = arith.constant 0 : i32
      %dma_wait3A_222 = arith.constant 0 : i32
      %dma_wait3A_223 = tpu.memref_slice %arg5[%dma_wait3A_221, %dma_wait3A_222] : memref<4096x128xf32, #tpu.memory_space<vmem_shared>> -> memref<4096x128xf32, #tpu.memory_space<vmem_shared>>
      tpu.wait_indirect_dma semaphore(%arg15 : memref<!tpu.dma_semaphore, #tpu.memory_space<semaphore_mem>>) src(%dma_wait3A_223 : memref<4096x128xf32, #tpu.memory_space<vmem_shared>>) dst(%arg7 : memref<128x128xf32, #tpu.memory_space<vmem>>)
      %mul3A_224 = arith.constant 128 : i32
      %mul3A_225 = arith.muli %add3A_202, %mul3A_224 : i32
      %add3A_226 = arith.addi %mul3A_2, %mul3A_225 : i32
      %dma_start3A_227 = arith.constant 0 : i32
      %dma_start3A_228 = tpu.memref_slice %arg4[%add3A_226, %dma_start3A_227] : memref<32768x128xf32, #tpu.memory_space<hbm>> -> memref<128x128xf32, #tpu.memory_space<hbm>>
      %dma_start3A_229 = arith.constant 0 : i32
      %dma_start3A_230 = tpu.memref_slice %arg4[%add3A_226, %dma_start3A_229] : memref<32768x128xf32, #tpu.memory_space<hbm>> -> memref<128x128xf32, #tpu.memory_space<hbm>>
      tpu.enqueue_dma source(%arg7 : memref<128x128xf32, #tpu.memory_space<vmem>>) target(%dma_start3A_230 : memref<128x128xf32, #tpu.memory_space<hbm>>) target_semaphore(%arg19 : memref<!tpu.dma_semaphore, #tpu.memory_space<semaphore_mem>>)
      %add3A_231 = arith.constant 4 : i32
      %add3A_232 = arith.addi %add3A_202, %add3A_231 : i32
      %lt3A = arith.constant 8 : i32
      %lt3A_233 = arith.cmpi slt, %add3A_232, %lt3A : i32
      %convert_element_type3A = arith.extui %lt3A_233 : i1 to i32
      %cond3A = arith.constant 0 : i32
      %cond3A_234 = arith.cmpi ne, %convert_element_type3A, %cond3A : i32
      scf.if %cond3A_234 {
        %mul3A_352 = arith.constant 128 : i32
        %mul3A_353 = arith.muli %add3A_202, %mul3A_352 : i32
        %add3A_354 = arith.addi %mul3A_2, %mul3A_353 : i32
        %dma_wait3A_355 = arith.constant 0 : i32
        %dma_wait3A_356 = tpu.memref_slice %arg4[%add3A_354, %dma_wait3A_355] : memref<32768x128xf32, #tpu.memory_space<hbm>> -> memref<128x128xf32, #tpu.memory_space<hbm>>
        %dma_wait3A_357 = arith.constant 0 : i32
        %dma_wait3A_358 = tpu.memref_slice %arg4[%add3A_354, %dma_wait3A_357] : memref<32768x128xf32, #tpu.memory_space<hbm>> -> memref<128x128xf32, #tpu.memory_space<hbm>>
        tpu.wait_dma2 semaphore(%arg19 : memref<!tpu.dma_semaphore, #tpu.memory_space<semaphore_mem>>) src(%arg7 : memref<128x128xf32, #tpu.memory_space<vmem>>) dst(%dma_wait3A_358 : memref<128x128xf32, #tpu.memory_space<hbm>>)
        %add3A_359 = arith.constant 4 : i32
        %add3A_360 = arith.addi %add3A_202, %add3A_359 : i32
        %dma_start3A_361 = arith.constant 0 : i32
        %dma_start3A_362 = arith.constant 0 : i32
        %dma_start3A_363 = tpu.memref_slice %arg6[%add3A_360, %dma_start3A_361, %dma_start3A_362] : memref<8x4x128xi32, #tpu.memory_space<vmem>> -> memref<1x1x128xi32, #tpu.memory_space<vmem>>
        %dma_start3A_364 = tpu.memref_squeeze %dma_start3A_363 : memref<1x1x128xi32, #tpu.memory_space<vmem>> -> memref<128xi32, #tpu.memory_space<vmem>>
        %dma_start3A_365 = arith.constant 0 : i32
        %dma_start3A_366 = arith.constant 0 : i32
        %dma_start3A_367 = tpu.memref_slice %arg5[%dma_start3A_365, %dma_start3A_366] : memref<4096x128xf32, #tpu.memory_space<vmem_shared>> -> memref<4096x128xf32, #tpu.memory_space<vmem_shared>>
        tpu.enqueue_indirect_dma source(%dma_start3A_367 : memref<4096x128xf32, #tpu.memory_space<vmem_shared>>) target(%arg7 : memref<128x128xf32, #tpu.memory_space<vmem>>) offsets(%dma_start3A_364 : memref<128xi32, #tpu.memory_space<vmem>>) semaphore(%arg11 : memref<!tpu.dma_semaphore, #tpu.memory_space<semaphore_mem>>)
      } else {
      }
      %mul3A_235 = arith.constant 4 : i32
      %mul3A_236 = arith.muli %scan3A_70, %mul3A_235 : i32
      %add3A_237 = arith.constant 1 : i32
      %add3A_238 = arith.addi %mul3A_236, %add3A_237 : i32
      %dma_wait3A_239 = arith.constant 1 : i32
      %dma_wait3A_240 = arith.constant 0 : i32
      %dma_wait3A_241 = tpu.memref_slice %arg6[%add3A_238, %dma_wait3A_239, %dma_wait3A_240] : memref<8x4x128xi32, #tpu.memory_space<vmem>> -> memref<1x1x128xi32, #tpu.memory_space<vmem>>
      %dma_wait3A_242 = tpu.memref_squeeze %dma_wait3A_241 : memref<1x1x128xi32, #tpu.memory_space<vmem>> -> memref<128xi32, #tpu.memory_space<vmem>>
      %dma_wait3A_243 = arith.constant 0 : i32
      %dma_wait3A_244 = arith.constant 0 : i32
      %dma_wait3A_245 = tpu.memref_slice %arg5[%dma_wait3A_243, %dma_wait3A_244] : memref<4096x128xf32, #tpu.memory_space<vmem_shared>> -> memref<4096x128xf32, #tpu.memory_space<vmem_shared>>
      tpu.wait_indirect_dma semaphore(%arg16 : memref<!tpu.dma_semaphore, #tpu.memory_space<semaphore_mem>>) src(%dma_wait3A_245 : memref<4096x128xf32, #tpu.memory_space<vmem_shared>>) dst(%arg8 : memref<128x128xf32, #tpu.memory_space<vmem>>)
      %dma_wait3A_246 = arith.constant 2 : i32
      %dma_wait3A_247 = arith.constant 0 : i32
      %dma_wait3A_248 = tpu.memref_slice %arg6[%add3A_238, %dma_wait3A_246, %dma_wait3A_247] : memref<8x4x128xi32, #tpu.memory_space<vmem>> -> memref<1x1x128xi32, #tpu.memory_space<vmem>>
      %dma_wait3A_249 = tpu.memref_squeeze %dma_wait3A_248 : memref<1x1x128xi32, #tpu.memory_space<vmem>> -> memref<128xi32, #tpu.memory_space<vmem>>
      %dma_wait3A_250 = arith.constant 0 : i32
      %dma_wait3A_251 = arith.constant 0 : i32
      %dma_wait3A_252 = tpu.memref_slice %arg5[%dma_wait3A_250, %dma_wait3A_251] : memref<4096x128xf32, #tpu.memory_space<vmem_shared>> -> memref<4096x128xf32, #tpu.memory_space<vmem_shared>>
      tpu.wait_indirect_dma semaphore(%arg16 : memref<!tpu.dma_semaphore, #tpu.memory_space<semaphore_mem>>) src(%dma_wait3A_252 : memref<4096x128xf32, #tpu.memory_space<vmem_shared>>) dst(%arg8 : memref<128x128xf32, #tpu.memory_space<vmem>>)
      %dma_wait3A_253 = arith.constant 3 : i32
      %dma_wait3A_254 = arith.constant 0 : i32
      %dma_wait3A_255 = tpu.memref_slice %arg6[%add3A_238, %dma_wait3A_253, %dma_wait3A_254] : memref<8x4x128xi32, #tpu.memory_space<vmem>> -> memref<1x1x128xi32, #tpu.memory_space<vmem>>
      %dma_wait3A_256 = tpu.memref_squeeze %dma_wait3A_255 : memref<1x1x128xi32, #tpu.memory_space<vmem>> -> memref<128xi32, #tpu.memory_space<vmem>>
      %dma_wait3A_257 = arith.constant 0 : i32
      %dma_wait3A_258 = arith.constant 0 : i32
      %dma_wait3A_259 = tpu.memref_slice %arg5[%dma_wait3A_257, %dma_wait3A_258] : memref<4096x128xf32, #tpu.memory_space<vmem_shared>> -> memref<4096x128xf32, #tpu.memory_space<vmem_shared>>
      tpu.wait_indirect_dma semaphore(%arg16 : memref<!tpu.dma_semaphore, #tpu.memory_space<semaphore_mem>>) src(%dma_wait3A_259 : memref<4096x128xf32, #tpu.memory_space<vmem_shared>>) dst(%arg8 : memref<128x128xf32, #tpu.memory_space<vmem>>)
      %mul3A_260 = arith.constant 128 : i32
      %mul3A_261 = arith.muli %add3A_238, %mul3A_260 : i32
      %add3A_262 = arith.addi %mul3A_2, %mul3A_261 : i32
      %dma_start3A_263 = arith.constant 0 : i32
      %dma_start3A_264 = tpu.memref_slice %arg4[%add3A_262, %dma_start3A_263] : memref<32768x128xf32, #tpu.memory_space<hbm>> -> memref<128x128xf32, #tpu.memory_space<hbm>>
      %dma_start3A_265 = arith.constant 0 : i32
      %dma_start3A_266 = tpu.memref_slice %arg4[%add3A_262, %dma_start3A_265] : memref<32768x128xf32, #tpu.memory_space<hbm>> -> memref<128x128xf32, #tpu.memory_space<hbm>>
      tpu.enqueue_dma source(%arg8 : memref<128x128xf32, #tpu.memory_space<vmem>>) target(%dma_start3A_266 : memref<128x128xf32, #tpu.memory_space<hbm>>) target_semaphore(%arg20 : memref<!tpu.dma_semaphore, #tpu.memory_space<semaphore_mem>>)
      %add3A_267 = arith.constant 4 : i32
      %add3A_268 = arith.addi %add3A_238, %add3A_267 : i32
      %lt3A_269 = arith.constant 8 : i32
      %lt3A_270 = arith.cmpi slt, %add3A_268, %lt3A_269 : i32
      %convert_element_type3A_271 = arith.extui %lt3A_270 : i1 to i32
      %cond3A_272 = arith.constant 0 : i32
      %cond3A_273 = arith.cmpi ne, %convert_element_type3A_271, %cond3A_272 : i32
      scf.if %cond3A_273 {
        %mul3A_352 = arith.constant 128 : i32
        %mul3A_353 = arith.muli %add3A_238, %mul3A_352 : i32
        %add3A_354 = arith.addi %mul3A_2, %mul3A_353 : i32
        %dma_wait3A_355 = arith.constant 0 : i32
        %dma_wait3A_356 = tpu.memref_slice %arg4[%add3A_354, %dma_wait3A_355] : memref<32768x128xf32, #tpu.memory_space<hbm>> -> memref<128x128xf32, #tpu.memory_space<hbm>>
        %dma_wait3A_357 = arith.constant 0 : i32
        %dma_wait3A_358 = tpu.memref_slice %arg4[%add3A_354, %dma_wait3A_357] : memref<32768x128xf32, #tpu.memory_space<hbm>> -> memref<128x128xf32, #tpu.memory_space<hbm>>
        tpu.wait_dma2 semaphore(%arg20 : memref<!tpu.dma_semaphore, #tpu.memory_space<semaphore_mem>>) src(%arg8 : memref<128x128xf32, #tpu.memory_space<vmem>>) dst(%dma_wait3A_358 : memref<128x128xf32, #tpu.memory_space<hbm>>)
        %add3A_359 = arith.constant 4 : i32
        %add3A_360 = arith.addi %add3A_238, %add3A_359 : i32
        %dma_start3A_361 = arith.constant 0 : i32
        %dma_start3A_362 = arith.constant 0 : i32
        %dma_start3A_363 = tpu.memref_slice %arg6[%add3A_360, %dma_start3A_361, %dma_start3A_362] : memref<8x4x128xi32, #tpu.memory_space<vmem>> -> memref<1x1x128xi32, #tpu.memory_space<vmem>>
        %dma_start3A_364 = tpu.memref_squeeze %dma_start3A_363 : memref<1x1x128xi32, #tpu.memory_space<vmem>> -> memref<128xi32, #tpu.memory_space<vmem>>
        %dma_start3A_365 = arith.constant 0 : i32
        %dma_start3A_366 = arith.constant 0 : i32
        %dma_start3A_367 = tpu.memref_slice %arg5[%dma_start3A_365, %dma_start3A_366] : memref<4096x128xf32, #tpu.memory_space<vmem_shared>> -> memref<4096x128xf32, #tpu.memory_space<vmem_shared>>
        tpu.enqueue_indirect_dma source(%dma_start3A_367 : memref<4096x128xf32, #tpu.memory_space<vmem_shared>>) target(%arg8 : memref<128x128xf32, #tpu.memory_space<vmem>>) offsets(%dma_start3A_364 : memref<128xi32, #tpu.memory_space<vmem>>) semaphore(%arg12 : memref<!tpu.dma_semaphore, #tpu.memory_space<semaphore_mem>>)
      } else {
      }
      %mul3A_274 = arith.constant 4 : i32
      %mul3A_275 = arith.muli %scan3A_70, %mul3A_274 : i32
      %add3A_276 = arith.constant 2 : i32
      %add3A_277 = arith.addi %mul3A_275, %add3A_276 : i32
      %dma_wait3A_278 = arith.constant 1 : i32
      %dma_wait3A_279 = arith.constant 0 : i32
      %dma_wait3A_280 = tpu.memref_slice %arg6[%add3A_277, %dma_wait3A_278, %dma_wait3A_279] : memref<8x4x128xi32, #tpu.memory_space<vmem>> -> memref<1x1x128xi32, #tpu.memory_space<vmem>>
      %dma_wait3A_281 = tpu.memref_squeeze %dma_wait3A_280 : memref<1x1x128xi32, #tpu.memory_space<vmem>> -> memref<128xi32, #tpu.memory_space<vmem>>
      %dma_wait3A_282 = arith.constant 0 : i32
      %dma_wait3A_283 = arith.constant 0 : i32
      %dma_wait3A_284 = tpu.memref_slice %arg5[%dma_wait3A_282, %dma_wait3A_283] : memref<4096x128xf32, #tpu.memory_space<vmem_shared>> -> memref<4096x128xf32, #tpu.memory_space<vmem_shared>>
      tpu.wait_indirect_dma semaphore(%arg17 : memref<!tpu.dma_semaphore, #tpu.memory_space<semaphore_mem>>) src(%dma_wait3A_284 : memref<4096x128xf32, #tpu.memory_space<vmem_shared>>) dst(%arg9 : memref<128x128xf32, #tpu.memory_space<vmem>>)
      %dma_wait3A_285 = arith.constant 2 : i32
      %dma_wait3A_286 = arith.constant 0 : i32
      %dma_wait3A_287 = tpu.memref_slice %arg6[%add3A_277, %dma_wait3A_285, %dma_wait3A_286] : memref<8x4x128xi32, #tpu.memory_space<vmem>> -> memref<1x1x128xi32, #tpu.memory_space<vmem>>
      %dma_wait3A_288 = tpu.memref_squeeze %dma_wait3A_287 : memref<1x1x128xi32, #tpu.memory_space<vmem>> -> memref<128xi32, #tpu.memory_space<vmem>>
      %dma_wait3A_289 = arith.constant 0 : i32
      %dma_wait3A_290 = arith.constant 0 : i32
      %dma_wait3A_291 = tpu.memref_slice %arg5[%dma_wait3A_289, %dma_wait3A_290] : memref<4096x128xf32, #tpu.memory_space<vmem_shared>> -> memref<4096x128xf32, #tpu.memory_space<vmem_shared>>
      tpu.wait_indirect_dma semaphore(%arg17 : memref<!tpu.dma_semaphore, #tpu.memory_space<semaphore_mem>>) src(%dma_wait3A_291 : memref<4096x128xf32, #tpu.memory_space<vmem_shared>>) dst(%arg9 : memref<128x128xf32, #tpu.memory_space<vmem>>)
      %dma_wait3A_292 = arith.constant 3 : i32
      %dma_wait3A_293 = arith.constant 0 : i32
      %dma_wait3A_294 = tpu.memref_slice %arg6[%add3A_277, %dma_wait3A_292, %dma_wait3A_293] : memref<8x4x128xi32, #tpu.memory_space<vmem>> -> memref<1x1x128xi32, #tpu.memory_space<vmem>>
      %dma_wait3A_295 = tpu.memref_squeeze %dma_wait3A_294 : memref<1x1x128xi32, #tpu.memory_space<vmem>> -> memref<128xi32, #tpu.memory_space<vmem>>
      %dma_wait3A_296 = arith.constant 0 : i32
      %dma_wait3A_297 = arith.constant 0 : i32
      %dma_wait3A_298 = tpu.memref_slice %arg5[%dma_wait3A_296, %dma_wait3A_297] : memref<4096x128xf32, #tpu.memory_space<vmem_shared>> -> memref<4096x128xf32, #tpu.memory_space<vmem_shared>>
      tpu.wait_indirect_dma semaphore(%arg17 : memref<!tpu.dma_semaphore, #tpu.memory_space<semaphore_mem>>) src(%dma_wait3A_298 : memref<4096x128xf32, #tpu.memory_space<vmem_shared>>) dst(%arg9 : memref<128x128xf32, #tpu.memory_space<vmem>>)
      %mul3A_299 = arith.constant 128 : i32
      %mul3A_300 = arith.muli %add3A_277, %mul3A_299 : i32
      %add3A_301 = arith.addi %mul3A_2, %mul3A_300 : i32
      %dma_start3A_302 = arith.constant 0 : i32
      %dma_start3A_303 = tpu.memref_slice %arg4[%add3A_301, %dma_start3A_302] : memref<32768x128xf32, #tpu.memory_space<hbm>> -> memref<128x128xf32, #tpu.memory_space<hbm>>
      %dma_start3A_304 = arith.constant 0 : i32
      %dma_start3A_305 = tpu.memref_slice %arg4[%add3A_301, %dma_start3A_304] : memref<32768x128xf32, #tpu.memory_space<hbm>> -> memref<128x128xf32, #tpu.memory_space<hbm>>
      tpu.enqueue_dma source(%arg9 : memref<128x128xf32, #tpu.memory_space<vmem>>) target(%dma_start3A_305 : memref<128x128xf32, #tpu.memory_space<hbm>>) target_semaphore(%arg21 : memref<!tpu.dma_semaphore, #tpu.memory_space<semaphore_mem>>)
      %add3A_306 = arith.constant 4 : i32
      %add3A_307 = arith.addi %add3A_277, %add3A_306 : i32
      %lt3A_308 = arith.constant 8 : i32
      %lt3A_309 = arith.cmpi slt, %add3A_307, %lt3A_308 : i32
      %convert_element_type3A_310 = arith.extui %lt3A_309 : i1 to i32
      %cond3A_311 = arith.constant 0 : i32
      %cond3A_312 = arith.cmpi ne, %convert_element_type3A_310, %cond3A_311 : i32
      scf.if %cond3A_312 {
        %mul3A_352 = arith.constant 128 : i32
        %mul3A_353 = arith.muli %add3A_277, %mul3A_352 : i32
        %add3A_354 = arith.addi %mul3A_2, %mul3A_353 : i32
        %dma_wait3A_355 = arith.constant 0 : i32
        %dma_wait3A_356 = tpu.memref_slice %arg4[%add3A_354, %dma_wait3A_355] : memref<32768x128xf32, #tpu.memory_space<hbm>> -> memref<128x128xf32, #tpu.memory_space<hbm>>
        %dma_wait3A_357 = arith.constant 0 : i32
        %dma_wait3A_358 = tpu.memref_slice %arg4[%add3A_354, %dma_wait3A_357] : memref<32768x128xf32, #tpu.memory_space<hbm>> -> memref<128x128xf32, #tpu.memory_space<hbm>>
        tpu.wait_dma2 semaphore(%arg21 : memref<!tpu.dma_semaphore, #tpu.memory_space<semaphore_mem>>) src(%arg9 : memref<128x128xf32, #tpu.memory_space<vmem>>) dst(%dma_wait3A_358 : memref<128x128xf32, #tpu.memory_space<hbm>>)
        %add3A_359 = arith.constant 4 : i32
        %add3A_360 = arith.addi %add3A_277, %add3A_359 : i32
        %dma_start3A_361 = arith.constant 0 : i32
        %dma_start3A_362 = arith.constant 0 : i32
        %dma_start3A_363 = tpu.memref_slice %arg6[%add3A_360, %dma_start3A_361, %dma_start3A_362] : memref<8x4x128xi32, #tpu.memory_space<vmem>> -> memref<1x1x128xi32, #tpu.memory_space<vmem>>
        %dma_start3A_364 = tpu.memref_squeeze %dma_start3A_363 : memref<1x1x128xi32, #tpu.memory_space<vmem>> -> memref<128xi32, #tpu.memory_space<vmem>>
        %dma_start3A_365 = arith.constant 0 : i32
        %dma_start3A_366 = arith.constant 0 : i32
        %dma_start3A_367 = tpu.memref_slice %arg5[%dma_start3A_365, %dma_start3A_366] : memref<4096x128xf32, #tpu.memory_space<vmem_shared>> -> memref<4096x128xf32, #tpu.memory_space<vmem_shared>>
        tpu.enqueue_indirect_dma source(%dma_start3A_367 : memref<4096x128xf32, #tpu.memory_space<vmem_shared>>) target(%arg9 : memref<128x128xf32, #tpu.memory_space<vmem>>) offsets(%dma_start3A_364 : memref<128xi32, #tpu.memory_space<vmem>>) semaphore(%arg13 : memref<!tpu.dma_semaphore, #tpu.memory_space<semaphore_mem>>)
      } else {
      }
      %mul3A_313 = arith.constant 4 : i32
      %mul3A_314 = arith.muli %scan3A_70, %mul3A_313 : i32
      %add3A_315 = arith.constant 3 : i32
      %add3A_316 = arith.addi %mul3A_314, %add3A_315 : i32
      %dma_wait3A_317 = arith.constant 1 : i32
      %dma_wait3A_318 = arith.constant 0 : i32
      %dma_wait3A_319 = tpu.memref_slice %arg6[%add3A_316, %dma_wait3A_317, %dma_wait3A_318] : memref<8x4x128xi32, #tpu.memory_space<vmem>> -> memref<1x1x128xi32, #tpu.memory_space<vmem>>
      %dma_wait3A_320 = tpu.memref_squeeze %dma_wait3A_319 : memref<1x1x128xi32, #tpu.memory_space<vmem>> -> memref<128xi32, #tpu.memory_space<vmem>>
      %dma_wait3A_321 = arith.constant 0 : i32
      %dma_wait3A_322 = arith.constant 0 : i32
      %dma_wait3A_323 = tpu.memref_slice %arg5[%dma_wait3A_321, %dma_wait3A_322] : memref<4096x128xf32, #tpu.memory_space<vmem_shared>> -> memref<4096x128xf32, #tpu.memory_space<vmem_shared>>
      tpu.wait_indirect_dma semaphore(%arg18 : memref<!tpu.dma_semaphore, #tpu.memory_space<semaphore_mem>>) src(%dma_wait3A_323 : memref<4096x128xf32, #tpu.memory_space<vmem_shared>>) dst(%arg10 : memref<128x128xf32, #tpu.memory_space<vmem>>)
      %dma_wait3A_324 = arith.constant 2 : i32
      %dma_wait3A_325 = arith.constant 0 : i32
      %dma_wait3A_326 = tpu.memref_slice %arg6[%add3A_316, %dma_wait3A_324, %dma_wait3A_325] : memref<8x4x128xi32, #tpu.memory_space<vmem>> -> memref<1x1x128xi32, #tpu.memory_space<vmem>>
      %dma_wait3A_327 = tpu.memref_squeeze %dma_wait3A_326 : memref<1x1x128xi32, #tpu.memory_space<vmem>> -> memref<128xi32, #tpu.memory_space<vmem>>
      %dma_wait3A_328 = arith.constant 0 : i32
      %dma_wait3A_329 = arith.constant 0 : i32
      %dma_wait3A_330 = tpu.memref_slice %arg5[%dma_wait3A_328, %dma_wait3A_329] : memref<4096x128xf32, #tpu.memory_space<vmem_shared>> -> memref<4096x128xf32, #tpu.memory_space<vmem_shared>>
      tpu.wait_indirect_dma semaphore(%arg18 : memref<!tpu.dma_semaphore, #tpu.memory_space<semaphore_mem>>) src(%dma_wait3A_330 : memref<4096x128xf32, #tpu.memory_space<vmem_shared>>) dst(%arg10 : memref<128x128xf32, #tpu.memory_space<vmem>>)
      %dma_wait3A_331 = arith.constant 3 : i32
      %dma_wait3A_332 = arith.constant 0 : i32
      %dma_wait3A_333 = tpu.memref_slice %arg6[%add3A_316, %dma_wait3A_331, %dma_wait3A_332] : memref<8x4x128xi32, #tpu.memory_space<vmem>> -> memref<1x1x128xi32, #tpu.memory_space<vmem>>
      %dma_wait3A_334 = tpu.memref_squeeze %dma_wait3A_333 : memref<1x1x128xi32, #tpu.memory_space<vmem>> -> memref<128xi32, #tpu.memory_space<vmem>>
      %dma_wait3A_335 = arith.constant 0 : i32
      %dma_wait3A_336 = arith.constant 0 : i32
      %dma_wait3A_337 = tpu.memref_slice %arg5[%dma_wait3A_335, %dma_wait3A_336] : memref<4096x128xf32, #tpu.memory_space<vmem_shared>> -> memref<4096x128xf32, #tpu.memory_space<vmem_shared>>
      tpu.wait_indirect_dma semaphore(%arg18 : memref<!tpu.dma_semaphore, #tpu.memory_space<semaphore_mem>>) src(%dma_wait3A_337 : memref<4096x128xf32, #tpu.memory_space<vmem_shared>>) dst(%arg10 : memref<128x128xf32, #tpu.memory_space<vmem>>)
      %mul3A_338 = arith.constant 128 : i32
      %mul3A_339 = arith.muli %add3A_316, %mul3A_338 : i32
      %add3A_340 = arith.addi %mul3A_2, %mul3A_339 : i32
      %dma_start3A_341 = arith.constant 0 : i32
      %dma_start3A_342 = tpu.memref_slice %arg4[%add3A_340, %dma_start3A_341] : memref<32768x128xf32, #tpu.memory_space<hbm>> -> memref<128x128xf32, #tpu.memory_space<hbm>>
      %dma_start3A_343 = arith.constant 0 : i32
      %dma_start3A_344 = tpu.memref_slice %arg4[%add3A_340, %dma_start3A_343] : memref<32768x128xf32, #tpu.memory_space<hbm>> -> memref<128x128xf32, #tpu.memory_space<hbm>>
      tpu.enqueue_dma source(%arg10 : memref<128x128xf32, #tpu.memory_space<vmem>>) target(%dma_start3A_344 : memref<128x128xf32, #tpu.memory_space<hbm>>) target_semaphore(%arg22 : memref<!tpu.dma_semaphore, #tpu.memory_space<semaphore_mem>>)
      %add3A_345 = arith.constant 4 : i32
      %add3A_346 = arith.addi %add3A_316, %add3A_345 : i32
      %lt3A_347 = arith.constant 8 : i32
      %lt3A_348 = arith.cmpi slt, %add3A_346, %lt3A_347 : i32
      %convert_element_type3A_349 = arith.extui %lt3A_348 : i1 to i32
      %cond3A_350 = arith.constant 0 : i32
      %cond3A_351 = arith.cmpi ne, %convert_element_type3A_349, %cond3A_350 : i32
      scf.if %cond3A_351 {
        %mul3A_352 = arith.constant 128 : i32
        %mul3A_353 = arith.muli %add3A_316, %mul3A_352 : i32
        %add3A_354 = arith.addi %mul3A_2, %mul3A_353 : i32
        %dma_wait3A_355 = arith.constant 0 : i32
        %dma_wait3A_356 = tpu.memref_slice %arg4[%add3A_354, %dma_wait3A_355] : memref<32768x128xf32, #tpu.memory_space<hbm>> -> memref<128x128xf32, #tpu.memory_space<hbm>>
        %dma_wait3A_357 = arith.constant 0 : i32
        %dma_wait3A_358 = tpu.memref_slice %arg4[%add3A_354, %dma_wait3A_357] : memref<32768x128xf32, #tpu.memory_space<hbm>> -> memref<128x128xf32, #tpu.memory_space<hbm>>
        tpu.wait_dma2 semaphore(%arg22 : memref<!tpu.dma_semaphore, #tpu.memory_space<semaphore_mem>>) src(%arg10 : memref<128x128xf32, #tpu.memory_space<vmem>>) dst(%dma_wait3A_358 : memref<128x128xf32, #tpu.memory_space<hbm>>)
        %add3A_359 = arith.constant 4 : i32
        %add3A_360 = arith.addi %add3A_316, %add3A_359 : i32
        %dma_start3A_361 = arith.constant 0 : i32
        %dma_start3A_362 = arith.constant 0 : i32
        %dma_start3A_363 = tpu.memref_slice %arg6[%add3A_360, %dma_start3A_361, %dma_start3A_362] : memref<8x4x128xi32, #tpu.memory_space<vmem>> -> memref<1x1x128xi32, #tpu.memory_space<vmem>>
        %dma_start3A_364 = tpu.memref_squeeze %dma_start3A_363 : memref<1x1x128xi32, #tpu.memory_space<vmem>> -> memref<128xi32, #tpu.memory_space<vmem>>
        %dma_start3A_365 = arith.constant 0 : i32
        %dma_start3A_366 = arith.constant 0 : i32
        %dma_start3A_367 = tpu.memref_slice %arg5[%dma_start3A_365, %dma_start3A_366] : memref<4096x128xf32, #tpu.memory_space<vmem_shared>> -> memref<4096x128xf32, #tpu.memory_space<vmem_shared>>
        tpu.enqueue_indirect_dma source(%dma_start3A_367 : memref<4096x128xf32, #tpu.memory_space<vmem_shared>>) target(%arg10 : memref<128x128xf32, #tpu.memory_space<vmem>>) offsets(%dma_start3A_364 : memref<128xi32, #tpu.memory_space<vmem>>) semaphore(%arg14 : memref<!tpu.dma_semaphore, #tpu.memory_space<semaphore_mem>>)
      } else {
      }
    }
    %scan3A_46 = arith.constant 2 : i32
    %add3A_47 = arith.constant 512 : i32
    %add3A_48 = arith.addi %mul3A_2, %add3A_47 : i32
    %dma_wait3A = arith.constant 0 : i32
    %dma_wait3A_49 = tpu.memref_slice %arg4[%add3A_48, %dma_wait3A] : memref<32768x128xf32, #tpu.memory_space<hbm>> -> memref<128x128xf32, #tpu.memory_space<hbm>>
    %dma_wait3A_50 = arith.constant 0 : i32
    %dma_wait3A_51 = tpu.memref_slice %arg4[%add3A_48, %dma_wait3A_50] : memref<32768x128xf32, #tpu.memory_space<hbm>> -> memref<128x128xf32, #tpu.memory_space<hbm>>
    tpu.wait_dma2 semaphore(%arg19 : memref<!tpu.dma_semaphore, #tpu.memory_space<semaphore_mem>>) src(%arg7 : memref<128x128xf32, #tpu.memory_space<vmem>>) dst(%dma_wait3A_51 : memref<128x128xf32, #tpu.memory_space<hbm>>)
    %add3A_52 = arith.constant 640 : i32
    %add3A_53 = arith.addi %mul3A_2, %add3A_52 : i32
    %dma_wait3A_54 = arith.constant 0 : i32
    %dma_wait3A_55 = tpu.memref_slice %arg4[%add3A_53, %dma_wait3A_54] : memref<32768x128xf32, #tpu.memory_space<hbm>> -> memref<128x128xf32, #tpu.memory_space<hbm>>
    %dma_wait3A_56 = arith.constant 0 : i32
    %dma_wait3A_57 = tpu.memref_slice %arg4[%add3A_53, %dma_wait3A_56] : memref<32768x128xf32, #tpu.memory_space<hbm>> -> memref<128x128xf32, #tpu.memory_space<hbm>>
    tpu.wait_dma2 semaphore(%arg20 : memref<!tpu.dma_semaphore, #tpu.memory_space<semaphore_mem>>) src(%arg8 : memref<128x128xf32, #tpu.memory_space<vmem>>) dst(%dma_wait3A_57 : memref<128x128xf32, #tpu.memory_space<hbm>>)
    %add3A_58 = arith.constant 768 : i32
    %add3A_59 = arith.addi %mul3A_2, %add3A_58 : i32
    %dma_wait3A_60 = arith.constant 0 : i32
    %dma_wait3A_61 = tpu.memref_slice %arg4[%add3A_59, %dma_wait3A_60] : memref<32768x128xf32, #tpu.memory_space<hbm>> -> memref<128x128xf32, #tpu.memory_space<hbm>>
    %dma_wait3A_62 = arith.constant 0 : i32
    %dma_wait3A_63 = tpu.memref_slice %arg4[%add3A_59, %dma_wait3A_62] : memref<32768x128xf32, #tpu.memory_space<hbm>> -> memref<128x128xf32, #tpu.memory_space<hbm>>
    tpu.wait_dma2 semaphore(%arg21 : memref<!tpu.dma_semaphore, #tpu.memory_space<semaphore_mem>>) src(%arg9 : memref<128x128xf32, #tpu.memory_space<vmem>>) dst(%dma_wait3A_63 : memref<128x128xf32, #tpu.memory_space<hbm>>)
    %add3A_64 = arith.constant 896 : i32
    %add3A_65 = arith.addi %mul3A_2, %add3A_64 : i32
    %dma_wait3A_66 = arith.constant 0 : i32
    %dma_wait3A_67 = tpu.memref_slice %arg4[%add3A_65, %dma_wait3A_66] : memref<32768x128xf32, #tpu.memory_space<hbm>> -> memref<128x128xf32, #tpu.memory_space<hbm>>
    %dma_wait3A_68 = arith.constant 0 : i32
    %dma_wait3A_69 = tpu.memref_slice %arg4[%add3A_65, %dma_wait3A_68] : memref<32768x128xf32, #tpu.memory_space<hbm>> -> memref<128x128xf32, #tpu.memory_space<hbm>>
    tpu.wait_dma2 semaphore(%arg22 : memref<!tpu.dma_semaphore, #tpu.memory_space<semaphore_mem>>) src(%arg10 : memref<128x128xf32, #tpu.memory_space<vmem>>) dst(%dma_wait3A_69 : memref<128x128xf32, #tpu.memory_space<hbm>>)
    return
  }
}

module attributes {stable_mosaic.version = 14 : i64} {
  func.func @body(%arg0: i32, %arg1: memref<512x1024xf32, #tpu.memory_space<vmem>>, %arg2: memref<1024x128xf32, #tpu.memory_space<vmem>>, %arg3: memref<1x128xf32, #tpu.memory_space<vmem>>, %arg4: memref<512x128xf32, #tpu.memory_space<vmem>>) attributes {dimension_semantics = [#tpu.dimension_semantics<arbitrary>], iteration_bounds = array<i64: 8>, scalar_prefetch = 0 : i64, scratch_operands = 0 : i64, tpu.core_type = #tpu.core_type<tc>, window_params = [{transform_indices = @transform_0, window_bounds = array<i64: 512, 1024>}, {pipeline_mode = #tpu.pipeline_mode<synchronous>, transform_indices = @transform_1, window_bounds = array<i64: 1024, 128>}, {pipeline_mode = #tpu.pipeline_mode<synchronous>, transform_indices = @transform_2, window_bounds = array<i64: 1, 128>}, {transform_indices = @transform_3, window_bounds = array<i64: 512, 128>}]} {
    %get3A = arith.constant 0 : index
    %get3A_0 = arith.constant 0 : index
    %get3A_1 = vector.load %arg1[%get3A, %get3A_0] : memref<512x1024xf32, #tpu.memory_space<vmem>>, vector<512x1024xf32>
    %get3A_2 = arith.constant 0 : index
    %get3A_3 = arith.constant 0 : index
    %get3A_4 = vector.load %arg2[%get3A_2, %get3A_3] : memref<1024x128xf32, #tpu.memory_space<vmem>>, vector<1024x128xf32>
    %dot_general3A = arith.constant dense<0.000000e+00> : vector<512x128xf32>
    %dot_general3A_5 = tpu.matmul %get3A_1, %get3A_4, %dot_general3A {dimension_numbers = #tpu.dot_dimension_numbers<[1], [0], [0], [1], [0, 0, 1, 1], [], []>, transpose_lhs_hint = false} : vector<512x1024xf32>, vector<1024x128xf32>, vector<512x128xf32> -> vector<512x128xf32>
    %get3A_6 = arith.constant 0 : index
    %get3A_7 = arith.constant 0 : index
    %get3A_8 = vector.load %arg3[%get3A_6, %get3A_7] : memref<1x128xf32, #tpu.memory_space<vmem>>, vector<1x128xf32>
    %add3A = vector.broadcast %get3A_8 : vector<1x128xf32> to vector<512x128xf32>
    %add3A_9 = arith.addf %dot_general3A_5, %add3A : vector<512x128xf32>
    %swap3A = arith.constant 0 : index
    %swap3A_10 = arith.constant 0 : index
    %swap3A_11 = vector.load %arg4[%swap3A, %swap3A_10] : memref<512x128xf32, #tpu.memory_space<vmem>>, vector<512x128xf32>
    tpu.vector_store %arg4[%swap3A, %swap3A_10], %add3A_9 {strides = array<i32>} : memref<512x128xf32, #tpu.memory_space<vmem>>, vector<512x128xf32>,
    return
  }
  func.func @transform_0(%arg0: i32) -> (i32, i32) {
    %c0_i32 = arith.constant 0 : i32
    %c0_i32_0 = arith.constant 0 : i32
    return %arg0, %c0_i32 : i32, i32
  }
  func.func @transform_1(%arg0: i32) -> (i32, i32) {
    %c0_i32 = arith.constant 0 : i32
    %c0_i32_0 = arith.constant 0 : i32
    %c0_i32_1 = arith.constant 0 : i32
    return %c0_i32, %c0_i32_0 : i32, i32
  }
  func.func @transform_2(%arg0: i32) -> (i32, i32) {
    %c0_i32 = arith.constant 0 : i32
    %c0_i32_0 = arith.constant 0 : i32
    %c0_i32_1 = arith.constant 0 : i32
    return %c0_i32, %c0_i32_0 : i32, i32
  }
  func.func @transform_3(%arg0: i32) -> (i32, i32) {
    %c0_i32 = arith.constant 0 : i32
    %c0_i32_0 = arith.constant 0 : i32
    return %arg0, %c0_i32 : i32, i32
  }
}

</mosaic_0001>

<sc_bundles>
// kernel: kernel.4.cloned.1.call-start
scs
__scs_entry_jumppad:
0x0: {  	(pc) =	sbr.rel $0x88, $3  }
0x1: {  	(tag) =	ssettag $0x0;
	lr =	simm.s32 $0x1  }
0x2: {  	[smem:$0x3F97] =	sst lr;
	_ =	strace $0xD0000000  }
0x3: {  	_ = 	snop  }
0x4: {  	_ = 	snop  }
0x5: {  	_ = 	snop  }
0x6: {  	_ = 	snop  }
0x7: {  	_ = 	snop  }
__scs_overlays_trampoline_lowered:
0x8: {  	[smem:$0x3FA6] =	sst s0  }
0x9: {  	[smem:$0x3FA7] =	sst s1  }
0xa: {  	[smem:$0x3FA8] =	sst s2  }
0xb: {  	[smem:$0x3FA9] =	sst s3  }
0xc: {  	[smem:$0x3FAA] =	sst s4  }
0xd: {  	[smem:$0x3FAB] =	sst s5  }
0xe: {  	[smem:$0x3FAC] =	sst s6  }
0xf: {  	[smem:$0x3FAD] =	sst s7  }
0x10: {  	[smem:$0x3FAE] =	sst s8  }
0x11: {  	[smem:$0x3FAF] =	sst s9;
	s0 =	simm.s32 @!p0 $0x0  }
0x12: {  	s1 =	sld [smem:$0x3F95];
	s0 =	simm.s32 @p0 $0x1  }
0x13: {  	[smem:$0x3FB0] =	sst s0;
	s0 =	simm.s32 @!p1 $0x0  }
0x14: {  	s2 =	sld [smem:$0x3F94];
	s0 =	simm.s32 @p1 $0x1  }
0x15: {  	[smem:$0x3FB1] =	sst s0;
	s0 =	simm.s32 @!p2 $0x0  }
0x16: {  	s3 =	sld [smem:$0x3FDB];
	s0 =	simm.s32 @p2 $0x1  }
0x17: {  	s4 =	simm.s32 $0x1BF5;
	[smem:$0x3FB3] =	sst s0  }
0x18: {  	s0 =	sld [smem:$0x3F96];
	_ =	swait.ge [sflag:s4], $0x0  }
0x19: {  	s7 =	sld [smem:$0x3F97]  }
0x1a: {  	s8 =	sadd.s32 $0xFFFFE003, lr  }
0x1b: {  	s9 =	sadd.s32 $0xFFFFFEF7, lr;
	s5 =	simm.s32 $0xFFFFFFFF;
	p2 =	slt.u32 s8, $0xFFFFF086  }
0x1c: {  	p1 =	slt.u32 s9, $0xF7A;
	s5 =	simm.s32 @!p2 $0x0  }
0x1d: {  	s5 =	simm.s32 @p1 $0x1;
	p0 =	seq.s32 s7, s2  }
0x1e: {  	s7 =	smul.u32 @!p0 $0xF7A, s2;
	p2 =	seq.s32 @!p0 s5, $0x0  }
0x1f: {  	s9 =	smul.u32 $0xF7A, s1;
	s8 =	simm.s32 @!p0 $0x1BF5;
	p2 =	por !p2, p0  }
0x20: {  	[sflag:s8] =	ssyncset.s32 @!p0 $0xFFFFF086;
	s6 =	sadd.s32 @!p0 s3, s7;
	s7 =	simm.s32 @!p0 $0x108  }
0x21: {  	s3 =	sadd.s32 s3, s9;
	s6 =	sadd.s32 @!p0 $0x88, s6;
	s7 =	simm.s32 @p2 $0x1082  }
0x22: {  	[simem:s7], [sflag:s8] =	dma.local @!p0 [hbm:s6], $0xF7A  }
0x23: {  	s9 =	sor.u32 $0xD0000000, s2;
	s6 =	simm.s32 $0x108;
	_ =	swait.ge @!p0 [sflag:s8], $0x0  }
0x24: {  	s3 =	sadd.s32 $0x88, s3;
	s6 =	simm.s32 @!p1 $0x1082;
	[sflag:s4] =	ssyncset.s32 $0xFFFFF086  }
0x25: {  	[simem:s6], [sflag:s4] =	dma.local [hbm:s3], $0xF7A  }
0x26: {  	[smem:$0x3F97] =	sst s1;
	(tag) =	ssettag s2;
	_ =	strace s9  }
0x27: {  	s1 =	sld [smem:$0x3FA7]  }
0x28: {  	s2 =	sld [smem:$0x3FA8]  }
0x29: {  	s4 =	sld [smem:$0x3FAA]  }
0x2a: {  	p0 =	seq.s32 s5, $0x0;
	s5 =	sld [smem:$0x3FAB]  }
0x2b: {  	s6 =	sld [smem:$0x3FAC]  }
0x2c: {  	s7 =	sld [smem:$0x3FAD]  }
0x2d: {  	s3 =	simm.s32 $0x108;
	s8 =	sld [smem:$0x3FAE]  }
0x2e: {  	s3 =	simm.s32 @!p0 $0x1082;
	s9 =	sld [smem:$0x3FAF]  }
0x2f: {  	lr =	sadd.s32 s0, s3;
	s0 =	sld [smem:$0x3FA6]  }
0x30: {  	s3 =	sld [smem:$0x3FA9]  }
0x31: {  	[smem:$0x3FB2] =	sst s10  }
0x32: {  	s10 =	sld [smem:$0x3FB0];
	_ =	sdelay $0x3  }
0x33: {  	p0 =	seq.s32 s10, $0x1;
	s10 =	sld [smem:$0x3FB2];
	_ =	sdelay $0x3  }
0x34: {  	[smem:$0x3FB2] =	sst s10  }
0x35: {  	s10 =	sld [smem:$0x3FB1];
	_ =	sdelay $0x3  }
0x36: {  	p1 =	seq.s32 s10, $0x1;
	s10 =	sld [smem:$0x3FB2];
	_ =	sdelay $0x3  }
0x37: {  	[smem:$0x3FB2] =	sst s10  }
0x38: {  	s10 =	sld [smem:$0x3FB3]  }
0x39: {  	_ = 	snop;
	(pc) =	sbr.ind lr, $3  }
0x3a: {  	_ = 	snop  }
0x3b: {  	_ = 	snop  }
0x3c: {  	p2 =	seq.s32 s10, $0x1;
	s10 =	sld [smem:$0x3FB2]  }
0x3d: {  	_ =	shalt  }
0x3e: {  	_ =	shalt  }
0x3f: {  	_ =	shalt  }
0x40: {  	_ =	shalt  }
0x41: {  	_ =	shalt  }
0x42: {  	_ =	shalt  }
0x43: {  	_ =	shalt  }
0x44: {  	_ =	shalt  }
0x45: {  	_ =	shalt  }
0x46: {  	_ =	shalt  }
0x47: {  	_ =	shalt  }
0x48: {  	_ =	shalt  }
0x49: {  	_ =	shalt  }
0x4a: {  	_ =	shalt  }
0x4b: {  	_ =	shalt  }
0x4c: {  	_ =	shalt  }
0x4d: {  	_ =	shalt  }
0x4e: {  	_ =	shalt  }
0x4f: {  	_ =	shalt  }
0x50: {  	_ =	shalt  }
0x51: {  	_ =	shalt  }
0x52: {  	_ =	shalt  }
0x53: {  	_ =	shalt  }
0x54: {  	_ =	shalt  }
0x55: {  	_ =	shalt  }
0x56: {  	_ =	shalt  }
0x57: {  	_ =	shalt  }
0x58: {  	_ =	shalt  }
0x59: {  	_ =	shalt  }
0x5a: {  	_ =	shalt  }
0x5b: {  	_ =	shalt  }
0x5c: {  	_ =	shalt  }
0x5d: {  	_ =	shalt  }
0x5e: {  	_ =	shalt  }
0x5f: {  	_ =	shalt  }
0x60: {  	_ =	shalt  }
0x61: {  	_ =	shalt  }
0x62: {  	_ =	shalt  }
0x63: {  	_ =	shalt  }
0x64: {  	_ =	shalt  }
0x65: {  	_ =	shalt  }
0x66: {  	_ =	shalt  }
0x67: {  	_ =	shalt  }
0x68: {  	_ =	shalt  }
0x69: {  	_ =	shalt  }
0x6a: {  	_ =	shalt  }
0x6b: {  	_ =	shalt  }
0x6c: {  	_ =	shalt  }
0x6d: {  	_ =	shalt  }
0x6e: {  	_ =	shalt  }
0x6f: {  	_ =	shalt  }
0x70: {  	_ =	shalt  }
0x71: {  	_ =	shalt  }
0x72: {  	_ =	shalt  }
0x73: {  	_ =	shalt  }
0x74: {  	_ =	shalt  }
0x75: {  	_ =	shalt  }
0x76: {  	_ =	shalt  }
0x77: {  	_ =	shalt  }
0x78: {  	_ =	shalt  }
0x79: {  	_ =	shalt  }
0x7a: {  	_ =	shalt  }
0x7b: {  	_ =	shalt  }
0x7c: {  	_ =	shalt  }
0x7d: {  	_ =	shalt  }
0x7e: {  	_ =	shalt  }
0x7f: {  	_ =	shalt  }
0x80: {  	_ =	shalt  }
0x81: {  	_ =	shalt  }
0x82: {  	_ =	shalt  }
0x83: {  	_ =	shalt  }
0x84: {  	_ =	shalt  }
0x85: {  	_ =	shalt  }
0x86: {  	_ =	shalt  }
0x87: {  	_ =	shalt  }
.Lfunc_end0:
.L_simem_size_0:
called_computation_lowered:
.L_overlay_start_0:
0x88: {  	s2 =	sld [smem:$0x3FD9]  }
0x89: {  	s3 =	sld [smem:$0x3FFE];
	_ =	sdelay $0x1  }
0x8a: {  	s1 =	srdreg.scid  }
0x8b: {  	s0 =	sand.u32 $0x1, s1  }
0x8c: {  	s17 =	sshll.u32 s0, $0xA;
	s2 =	sadd.s32 s3, s2  }
0x8d: {  	s2 =	sadd.s32 s2, s17  }
0x8e: {  	[smem:$0x3FBE] =	sst s2  }
0x8f: {  	_ = 	snop  }
0x90: {  	s2 =	sld [smem:$0x3FD0];
	(tm) =	ssettm $0x1  }
0x91: {  	s18 =	sld [smem:$0x3FFB];
	_ =	sdelay $0x3  }
0x92: {  	_ =	strace s18  }
0x93: {  	s3 =	sld [smem:$0x3FFC];
	_ =	sdelay $0x3  }
0x94: {  	_ =	strace s3  }
0x95: {  	s3 =	sld [smem:$0x3FFD];
	_ =	sdelay $0x3  }
0x96: {  	_ =	strace s3  }
0x97: {  	_ =	strace $0x8FFFFFFF  }
0x98: {  	s19 =	sld [smem:$0x3FDB];
	_ =	sdelay $0x1  }
0x99: {  	s4 =	simm.s32 $_scs_section_size  }
0x9a: {  	s5 =	simm.s32 $_size__tile_overlayer_lowered;
	s6 =	simm.s32 $_tile_overlayer_lowered  }
0x9b: {  	s22 =	simm.s32 $0x1BFF;
	s21 =	sshll.u32 s6, $0x1;
	s3 =	sadd.s32 s4, s19  }
0x9c: {  	s7 =	simm.s32 $0x0;
	s20 =	sshll.u32 s5, $0x1;
	s5 =	sadd.s32 s21, s3  }
0x9d: {  	[timem:s7], [sflag:s22] =	dma.local [hbm:s5], s20  }
0x9e: {  	_ =	swait.ge [sflag:s22], s20  }
0x9f: {  	s4 =	ssub.s32 $0x0, s20;
	[sflag:s22] =	ssyncset.done $0x0  }
0xa0: {  	[sflag:s22] =	ssyncadd.s32 s4;
	_ =	sdelay $0x1  }
0xa1: {  	s23 =	simm.s32 $0x1B8B  }
0xa2: {  	_ =	swait.ge [sflag:s23], $0x1  }
0xa3: {  	[sflag:s23] =	ssyncset.done $0x0  }
0xa4: {  	s25 =	simm.s32 $0x1B8E;
	s24 =	sld [smem:$0x3FFE];
	[sflag:s23] =	ssyncadd.s32 $0xFFFFFFFF  }
0xa5: {  	s26 =	simm.s32 $execute0_lowered;
	[smem:$0x3FD2] =	sst s25  }
0xa6: {  	s5 =	sshll.u32 s26, $0x1;
	_ =	strace $0x80000046;
	[dreg:$0x1] =	wrdreg $0xFFFFFFFF  }
0xa7: {  	s28 =	simm.s32 $_size_execute0_lowered;
	s3 =	sadd.s32 s3, s5;
	[dreg:$0x0] =	wrdreg $0x0  }
0xa8: {  	s5 =	sshll.u32 s28, $0x1;
	[dreg:$0x2] =	wrdreg s3  }
0xa9: {  	[dreg:$0x3] =	wrdreg s5  }
0xaa: {  	[dreg:$0x4] =	wrdreg $0xC0  }
0xab: {  	_ =	task [dreg:s7], $0x5FFFF  }
0xac: {  	[dreg:$0x1] =	wrdreg $0xFFFFFFFF  }
0xad: {  	[dreg:$0x0] =	wrdreg $0x60  }
0xae: {  	[dreg:$0x2] =	wrdreg s2  }
0xaf: {  	[dreg:$0x3] =	wrdreg s24  }
0xb0: {  	[dreg:$0x4] =	wrdreg $0x0  }
0xb1: {  	[dreg:$0x5] =	wrdreg $0x9  }
0xb2: {  	_ =	task.clear_ibuf [dreg:s7], $0x6FFFF;
	_ =	strace $0x90000046  }
0xb3: {  	s29 =	simm.s32 $0x9;
	_ =	strace $0x80000048  }
0xb4: {  	_ =	swait.ge [sflag:s29], $0x1  }
0xb5: {  	[sflag:s29] =	ssyncadd.s32 $0xFFFFFFFF  }
0xb6: {  	_ =	strace $0x90000048  }
0xb7: {  	_ =	sfence  }
0xb8: {  	s30 =	sld [smem:$0x0];
	_ =	sdelay $0x2  }
0xb9: {  	s31 =	sshll.u32 s1, $0xD;
	s1 =	sshrl.u32 s1, $0x2  }
0xba: {  	s3 =	sand.u32 $0x4000, s31;
	s1 =	sadd.s32 s1, s30  }
0xbb: {  	s0 =	sor.u32 s3, s0;
	s1 =	sshll.u32 s1, $0x11  }
0xbc: {  	s0 =	sor.u32 s1, s0  }
0xbd: {  	s0 =	sadd.s32 $0x8F2B, s0  }
0xbe: {  	[sflag:s0] =	ssyncadd.remote.s32 $0x1  }
0xbf: {  	_ =	sfence.sel $0xFFFF  }
0xc0: {  	[dreg:$0x0] =	wrdreg $0xFFFFFFFF;
	(pc) =	sbr.abs _section_cstart, $3  }
0xc1: {  	[dreg:$0x1] =	wrdreg $0xFFFFFFFF  }
0xc2: {  	_ =	task.clear_ibuf [dreg:s7], $0x2FFFF;
	_ =	strace $0x9FFFFFFF  }
0xc3: {  	(tm) =	ssettm $0x7FFFFFFF  }
tec
execute0_lowered:
.L_overlay_start_1:
0x0: {  	(tag) =	ssettag $0x1  }
0x1: {  	s0 =	rddreg [dreg:$0x0]  }
0x2: {  	s1 =	rddreg [dreg:$0x1]  }
0x3: {  	s3 =	rddreg [dreg:$0x2]  }
0x4: {  	s21 =	rddreg [dreg:$0x3]  }
0x5: {  	s4 =	srdreg.scid;
	s9 =	stileid.u32  }
0x6: {  	s2 =	simm.s32 $0x0;
	s15 =	simm.s32 $0x8200;
	s16 =	simm.s32 $0x8400  }
0x7: {  	s18 =	simm.s32 $0x8600;
	s19 =	simm.s32 $0x8080;
	s20 =	simm.s32 $0x8100  }
0x8: {  	s22 =	simm.s32 $0x8180;
	s30 =	simm.s32 $0xD;
	[smem:$0x7FF] =	sst s2  }
0x9: {  	s31 =	simm.s32 $0x8000;
	_ =	strace $0x80000047;
	[dreg:$0x11] =	wrdreg s15  }
0xa: {  	p0 =	por $0x0, $0x0;
	s28 =	simm.s32 $0x8C80;
	[dreg:$0x12] =	wrdreg s16  }
0xb: {  	s29 =	simm.s32 $0x8D00;
	s4 =	sand.u32 $0x1, s4;
	[dreg:$0x13] =	wrdreg s18  }
0xc: {  	s5 =	sshll.u32 s9, $0x1;
	s7 =	sshll.u32 s9, $0xC;
	[dreg:$0x14] =	wrdreg s19  }
0xd: {  	s8 =	sshll.u32 s9, $0x8;
	s9 =	sshll.u32 s9, $0xF;
	[dreg:$0x15] =	wrdreg s20  }
0xe: {  	s5 =	sor.u32 s4, s5;
	s7 =	sadd.s32 s0, s7;
	[dreg:$0x16] =	wrdreg s22  }
0xf: {  	s8 =	sor.u32 $0x80, s8;
	s23 =	sadd.s32 s9, s3;
	[dreg:$0x4] =	wrdreg s7  }
0x10: {  	s17 =	ssub.s32 $0x2, s4;
	s15 =	simm.s32 $0x8C00;
	[dreg:$0x5] =	wrdreg s23  }
0x11: {  	s20 =	simm.s32 $0x1;
	s22 =	simm.s32 $0x8E00;
	[smem:$0x7F8] =	sst s15  }
0x12: {  	s24 =	sshll.u32 s8, $0x4;
	s23 =	simm.s32 $0x8280;
	[smem:$0x7F9] =	sst s22  }
0x13: {  	s25 =	sshll.u32 s8, $0x7;
	s0 =	sadd.s32 s0, s24;
	[dreg:$0x17] =	wrdreg s23  }
0x14: {  	s19 =	simm.s32 $0x2;
	s26 =	sadd.s32 s25, s3;
	[dreg:$0x6] =	wrdreg s0  }
0x15: {  	s6 =	sshll.u32 s5, $0x9;
	s24 =	simm.s32 $0x8300;
	[dreg:$0x7] =	wrdreg s26  }
0x16: {  	s5 =	sshll.u32 s5, $0xE;
	s25 =	simm.s32 $0x8380;
	[dreg:$0x18] =	wrdreg s24  }
0x17: {  	s6 =	sadd.s32 s6, s1;
	s23 =	simm.s32 $0x8880;
	[dreg:$0x19] =	wrdreg s25  }
0x18: {  	s1 =	sadd.s32 s5, s1;
	s6 =	sadd.s32 $0x1800, s6;
	[smem:$0x7FA] =	sst s23  }
0x19: {  	s18 =	simm.s32 $0x3;
	s7 =	sadd.s32 $0x5800, s1;
	[dreg:$0x8] =	wrdreg s6  }
0x1a: {  	s16 =	simm.s32 $0x5;
	s8 =	sadd.s32 $0x6000, s1;
	[dreg:$0x9] =	wrdreg s7  }
0x1b: {  	s4 =	sshrl.u32 s17, $0x1;
	s9 =	sadd.s32 $0x6800, s1;
	[dreg:$0xa] =	wrdreg s8  }
0x1c: {  	s15 =	simm.s32 $0x6;
	s10 =	sadd.s32 $0x7000, s1;
	[dreg:$0xb] =	wrdreg s9  }
0x1d: {  	s22 =	simm.s32 $0x8E80;
	s11 =	sadd.s32 $0x7800, s1;
	[dreg:$0xc] =	wrdreg s10  }
0x1e: {  	s5 =	simm.s32 $0x11000;
	s12 =	sadd.s32 $0x8000, s1;
	[dreg:$0xd] =	wrdreg s11  }
0x1f: {  	s13 =	sadd.s32 $0x8800, s1;
	s14 =	sadd.s32 $0x9000, s1;
	[dreg:$0xe] =	wrdreg s12  }
0x20: {  	s1 =	ssub.s32 s17, s4;
	s26 =	simm.s32 $0x8480;
	[dreg:$0xf] =	wrdreg s13  }
0x21: {  	s4 =	simm.s32 $0x8500;
	s17 =	simm.s32 $0x4;
	[dreg:$0x10] =	wrdreg s14  }
0x22: {  	s24 =	simm.s32 $0x8900;
	s25 =	simm.s32 $0x8980;
	[dreg:$0x1a] =	wrdreg s26  }
0x23: {  	s23 =	simm.s32 $0x8F00;
	s1 =	smax.u32 s1, $0x1;
	[dreg:$0x1b] =	wrdreg s4  }
0x24: {  	s7 =	simm.s32 $0x9000;
	s6 =	simm.s32 $0xD000;
	[smem:$0x7FB] =	sst s24  }
0x25: {  	s13 =	simm.s32 $0x80;
	s8 =	simm.s32 $0x8580;
	[smem:$0x7FC] =	sst s25  }
0x26: {  	s4 =	simm.s32 $0x15000;
	s9 =	simm.s32 $0x8680;
	[dreg:$0x1c] =	wrdreg s8  }
0x27: {  	s10 =	simm.s32 $0x8700;
	s11 =	simm.s32 $0x8780;
	[dreg:$0x1d] =	wrdreg s9  }
0x28: {  	s12 =	simm.s32 $0x8800;
	s14 =	simm.s32 $0x8A00;
	[dreg:$0x1e] =	wrdreg s10  }
0x29: {  	s26 =	simm.s32 $0x8A80;
	[dreg:$0x1f] =	wrdreg s11;
	p1 =	sne.s32 s1, $0x1  }
.Ltmp0:
0x2a: {  	s25 =	simm.s32 $0x8D80;
	[smem:$0x7F6] =	sst s12;
	(pc) =	sbr.rel @!p1 .LBB2_1-.Ltmp0, $4  }
0x2b: {  	s24 =	simm.s32 $0x8F80;
	[smem:$0x7F7] =	sst s14;
	s8 =	simm.s32 $0x9  }
0x2c: {  	s9 =	simm.s32 $0xA;
	s14 =	simm.s32 $0x7;
	s10 =	simm.s32 $0xB  }
0x2d: {  	s12 =	simm.s32 $0x8;
	s11 =	simm.s32 $0xC;
	[smem:$0x7FD] =	sst s26  }
0x2e: {  	s26 =	simm.s32 $0x8B80;
	s0 =	sadd.s32 $0xFFFFFFFF, s1;
	s1 =	rddreg [dreg:$0x4]  }
0x2f: {  	[tilespmem:s7], [sflag:$0xD] =	stream.linear.gather [hbm4b:s1+s2], $0x4000, $0x38;
	[tilespmem:$0x19000] =	vst v63  }
0x30: {  	_ =	swait.ge [sflag:s30], $0x4000  }
0x31: {  	[sflag:s30] =	ssyncset.done $0x0  }
0x32: {  	s21 =	rddreg [dreg:$0x5];
	[sflag:s30] =	ssyncadd.s32 $0xFFFFC000  }
0x33: {  	[spmem:s21] =	stream.linear.scatter [tilespmem:s7], [sflag:$0xD], $0x4000, $0x38;
	[tilespmem:$0x19000] =	vst v63  }
0x34: {  	_ =	swait.ge [sflag:s30], $0x4000  }
0x35: {  	[sflag:s30] =	ssyncset.done $0x0  }
0x36: {  	s21 =	rddreg [dreg:$0x6];
	[sflag:s30] =	ssyncadd.s32 $0xFFFFC000  }
0x37: {  	[tilespmem:s6], [sflag:$0xD] =	stream.linear.gather [hbm4b:s21+s2], $0x4000, $0x38;
	[tilespmem:$0x19000] =	vst v63  }
0x38: {  	_ =	swait.ge [sflag:s30], $0x4000  }
0x39: {  	[sflag:s30] =	ssyncset.done $0x0  }
0x3a: {  	s21 =	rddreg [dreg:$0x7];
	[sflag:s30] =	ssyncadd.s32 $0xFFFFC000  }
0x3b: {  	[spmem:s21] =	stream.linear.scatter [tilespmem:s6], [sflag:$0xD], $0x4000, $0x38;
	[tilespmem:$0x19000] =	vst v63  }
0x3c: {  	_ =	swait.ge [sflag:s30], $0x4000  }
0x3d: {  	[sflag:s30] =	ssyncset.done $0x0  }
0x3e: {  	s21 =	rddreg [dreg:$0x8];
	[sflag:s30] =	ssyncadd.s32 $0xFFFFC000  }
0x3f: {  	[tilespmem:s31], [sflag:$0xD] =	stream.linear.gather [hbm4b:s21+s2], $0x1000, $0x38;
	[tilespmem:$0x19000] =	vst v63  }
0x40: {  	_ =	swait.ge [sflag:s30], $0x1000  }
0x41: {  	[sflag:s30] =	ssyncset.done $0x0  }
0x42: {  	[sflag:s30] =	ssyncadd.s32 $0xFFFFF000  }
0x43: {  	[bflag:$0x0] =	sbarrier.arrive $0xFFFF  }
0x44: {  	[tilespmem:s7], [sflag:$0x1] =	stream.indirect.gather [spmem:s3], $0x80, s31, s13, $0xb8;
	[tilespmem:$0x19000] =	vst v63  }
0x45: {  	s1 =	rddreg [dreg:$0x11]  }
0x46: {  	[tilespmem:s6], [sflag:$0x2] =	stream.indirect.gather [spmem:s3], $0x80, s1, s13, $0xb8;
	[tilespmem:$0x19000] =	vst v63  }
0x47: {  	s21 =	smov.u32 s0;
	s0 =	rddreg [dreg:$0x12]  }
0x48: {  	[tilespmem:s5], [sflag:$0x3] =	stream.indirect.gather [spmem:s3], $0x80, s0, s13, $0xb8;
	[tilespmem:$0x19000] =	vst v63  }
0x49: {  	s1 =	rddreg [dreg:$0x13]  }
0x4a: {  	[tilespmem:s4], [sflag:$0x4] =	stream.indirect.gather [spmem:s3], $0x80, s1, s13, $0xb8;
	[tilespmem:$0x19000] =	vst v63  }
0x4b: {  	_ =	swait.ge [sflag:s20], $0x4000  }
0x4c: {  	[sflag:s20] =	ssyncset.done $0x0  }
0x4d: {  	s0 =	rddreg [dreg:$0x14];
	[sflag:s20] =	ssyncadd.s32 $0xFFFFC000  }
0x4e: {  	[tilespmem:s7], [sflag:$0x5] =	stream.indirect.gather.add.f32 [spmem:s3], $0x80, s0, s13, $0xb8;
	[tilespmem:$0x19000] =	vst v63  }
0x4f: {  	s1 =	rddreg [dreg:$0x15]  }
0x50: {  	[tilespmem:s7], [sflag:$0x5] =	stream.indirect.gather.add.f32 [spmem:s3], $0x80, s1, s13, $0xb8;
	[tilespmem:$0x19000] =	vst v63  }
0x51: {  	s0 =	rddreg [dreg:$0x16]  }
0x52: {  	[tilespmem:s7], [sflag:$0x5] =	stream.indirect.gather.add.f32 [spmem:s3], $0x80, s0, s13, $0xb8;
	[tilespmem:$0x19000] =	vst v63  }
0x53: {  	_ =	swait.ge [sflag:s19], $0x4000  }
0x54: {  	[sflag:s19] =	ssyncset.done $0x0  }
0x55: {  	s0 =	rddreg [dreg:$0x17];
	[sflag:s19] =	ssyncadd.s32 $0xFFFFC000  }
0x56: {  	[tilespmem:s6], [sflag:$0x6] =	stream.indirect.gather.add.f32 [spmem:s3], $0x80, s0, s13, $0xb8;
	[tilespmem:$0x19000] =	vst v63  }
0x57: {  	s1 =	rddreg [dreg:$0x18]  }
0x58: {  	[tilespmem:s6], [sflag:$0x6] =	stream.indirect.gather.add.f32 [spmem:s3], $0x80, s1, s13, $0xb8;
	[tilespmem:$0x19000] =	vst v63  }
0x59: {  	s0 =	rddreg [dreg:$0x19]  }
0x5a: {  	[tilespmem:s6], [sflag:$0x6] =	stream.indirect.gather.add.f32 [spmem:s3], $0x80, s0, s13, $0xb8;
	[tilespmem:$0x19000] =	vst v63  }
0x5b: {  	_ =	swait.ge [sflag:s18], $0x4000  }
0x5c: {  	[sflag:s18] =	ssyncset.done $0x0  }
0x5d: {  	s0 =	rddreg [dreg:$0x1a];
	[sflag:s18] =	ssyncadd.s32 $0xFFFFC000  }
0x5e: {  	[tilespmem:s5], [sflag:$0x7] =	stream.indirect.gather.add.f32 [spmem:s3], $0x80, s0, s13, $0xb8;
	[tilespmem:$0x19000] =	vst v63  }
0x5f: {  	s1 =	rddreg [dreg:$0x1b]  }
0x60: {  	[tilespmem:s5], [sflag:$0x7] =	stream.indirect.gather.add.f32 [spmem:s3], $0x80, s1, s13, $0xb8;
	[tilespmem:$0x19000] =	vst v63  }
0x61: {  	s0 =	rddreg [dreg:$0x1c]  }
0x62: {  	[tilespmem:s5], [sflag:$0x7] =	stream.indirect.gather.add.f32 [spmem:s3], $0x80, s0, s13, $0xb8;
	[tilespmem:$0x19000] =	vst v63  }
0x63: {  	_ =	swait.ge [sflag:s17], $0x4000  }
0x64: {  	[sflag:s17] =	ssyncset.done $0x0  }
0x65: {  	s0 =	rddreg [dreg:$0x1d];
	[sflag:s17] =	ssyncadd.s32 $0xFFFFC000  }
0x66: {  	[tilespmem:s4], [sflag:$0x8] =	stream.indirect.gather.add.f32 [spmem:s3], $0x80, s0, s13, $0xb8;
	[tilespmem:$0x19000] =	vst v63  }
0x67: {  	s1 =	rddreg [dreg:$0x1e]  }
0x68: {  	[tilespmem:s4], [sflag:$0x8] =	stream.indirect.gather.add.f32 [spmem:s3], $0x80, s1, s13, $0xb8;
	[tilespmem:$0x19000] =	vst v63  }
0x69: {  	s0 =	rddreg [dreg:$0x1f]  }
0x6a: {  	[tilespmem:s4], [sflag:$0x8] =	stream.indirect.gather.add.f32 [spmem:s3], $0x80, s0, s13, $0xb8;
	[tilespmem:$0x19000] =	vst v63  }
0x6b: {  	_ =	swait.ge [sflag:s16], $0x4000  }
0x6c: {  	[sflag:s16] =	ssyncset.done $0x0  }
0x6d: {  	[sflag:s16] =	ssyncadd.s32 $0xFFFFC000  }
0x6e: {  	_ =	swait.ge [sflag:s16], $0x4000  }
0x6f: {  	[sflag:s16] =	ssyncset.done $0x0  }
0x70: {  	[sflag:s16] =	ssyncadd.s32 $0xFFFFC000  }
0x71: {  	_ =	swait.ge [sflag:s16], $0x4000  }
0x72: {  	[sflag:s16] =	ssyncset.done $0x0  }
0x73: {  	s1 =	rddreg [dreg:$0x9];
	[sflag:s16] =	ssyncadd.s32 $0xFFFFC000  }
0x74: {  	[hbm4b:s1+s2] =	stream.linear.scatter [tilespmem:s7], [sflag:$0x9], $0x4000, $0x38;
	[tilespmem:$0x19000] =	vst v63  }
0x75: {  	_ =	swait.ge [sflag:s8], $0x4000  }
0x76: {  	s1 =	sld [smem:$0x7F6]  }
0x77: {  	[sflag:s8] =	ssyncset.done $0x0  }
0x78: {  	[sflag:s8] =	ssyncadd.s32 $0xFFFFC000  }
0x79: {  	[tilespmem:s7], [sflag:$0x1] =	stream.indirect.gather [spmem:s3], $0x80, s1, s13, $0xb8;
	[tilespmem:$0x19000] =	vst v63  }
0x7a: {  	_ =	swait.ge [sflag:s15], $0x4000  }
0x7b: {  	[sflag:s15] =	ssyncset.done $0x0  }
0x7c: {  	[sflag:s15] =	ssyncadd.s32 $0xFFFFC000  }
0x7d: {  	_ =	swait.ge [sflag:s15], $0x4000  }
0x7e: {  	[sflag:s15] =	ssyncset.done $0x0  }
0x7f: {  	[sflag:s15] =	ssyncadd.s32 $0xFFFFC000  }
0x80: {  	_ =	swait.ge [sflag:s15], $0x4000  }
0x81: {  	[sflag:s15] =	ssyncset.done $0x0  }
0x82: {  	s1 =	rddreg [dreg:$0xa];
	[sflag:s15] =	ssyncadd.s32 $0xFFFFC000  }
0x83: {  	[hbm4b:s1+s2] =	stream.linear.scatter [tilespmem:s6], [sflag:$0xA], $0x4000, $0x38;
	[tilespmem:$0x19000] =	vst v63  }
0x84: {  	_ =	swait.ge [sflag:s9], $0x4000  }
0x85: {  	s1 =	sld [smem:$0x7F7]  }
0x86: {  	[sflag:s9] =	ssyncset.done $0x0  }
0x87: {  	[sflag:s9] =	ssyncadd.s32 $0xFFFFC000  }
0x88: {  	[tilespmem:s6], [sflag:$0x2] =	stream.indirect.gather [spmem:s3], $0x80, s1, s13, $0xb8;
	[tilespmem:$0x19000] =	vst v63  }
0x89: {  	_ =	swait.ge [sflag:s14], $0x4000  }
0x8a: {  	[sflag:s14] =	ssyncset.done $0x0  }
0x8b: {  	[sflag:s14] =	ssyncadd.s32 $0xFFFFC000  }
0x8c: {  	_ =	swait.ge [sflag:s14], $0x4000  }
0x8d: {  	[sflag:s14] =	ssyncset.done $0x0  }
0x8e: {  	[sflag:s14] =	ssyncadd.s32 $0xFFFFC000  }
0x8f: {  	_ =	swait.ge [sflag:s14], $0x4000  }
0x90: {  	[sflag:s14] =	ssyncset.done $0x0  }
0x91: {  	s1 =	rddreg [dreg:$0xb];
	[sflag:s14] =	ssyncadd.s32 $0xFFFFC000  }
0x92: {  	[hbm4b:s1+s2] =	stream.linear.scatter [tilespmem:s5], [sflag:$0xB], $0x4000, $0x38;
	[tilespmem:$0x19000] =	vst v63  }
0x93: {  	_ =	swait.ge [sflag:s10], $0x4000  }
0x94: {  	s1 =	sld [smem:$0x7F8]  }
0x95: {  	[sflag:s10] =	ssyncset.done $0x0  }
0x96: {  	[sflag:s10] =	ssyncadd.s32 $0xFFFFC000  }
0x97: {  	[tilespmem:s5], [sflag:$0x3] =	stream.indirect.gather [spmem:s3], $0x80, s1, s13, $0xb8;
	[tilespmem:$0x19000] =	vst v63  }
0x98: {  	_ =	swait.ge [sflag:s12], $0x4000  }
0x99: {  	[sflag:s12] =	ssyncset.done $0x0  }
0x9a: {  	[sflag:s12] =	ssyncadd.s32 $0xFFFFC000  }
0x9b: {  	_ =	swait.ge [sflag:s12], $0x4000  }
0x9c: {  	[sflag:s12] =	ssyncset.done $0x0  }
0x9d: {  	[sflag:s12] =	ssyncadd.s32 $0xFFFFC000  }
0x9e: {  	_ =	swait.ge [sflag:s12], $0x4000  }
0x9f: {  	[sflag:s12] =	ssyncset.done $0x0  }
0xa0: {  	s1 =	rddreg [dreg:$0xc];
	[sflag:s12] =	ssyncadd.s32 $0xFFFFC000  }
0xa1: {  	[hbm4b:s1+s2] =	stream.linear.scatter [tilespmem:s4], [sflag:$0xC], $0x4000, $0x38;
	[tilespmem:$0x19000] =	vst v63  }
0xa2: {  	_ =	swait.ge [sflag:s11], $0x4000  }
0xa3: {  	s1 =	sld [smem:$0x7F9]  }
0xa4: {  	[sflag:s11] =	ssyncset.done $0x0  }
0xa5: {  	[sflag:s11] =	ssyncadd.s32 $0xFFFFC000  }
0xa6: {  	[tilespmem:s4], [sflag:$0x4] =	stream.indirect.gather [spmem:s3], $0x80, s1, s13, $0xb8;
	[tilespmem:$0x19000] =	vst v63  }
0xa7: {  	_ =	swait.ge [sflag:s20], $0x4000  }
0xa8: {  	s0 =	sld [smem:$0x7FA]  }
0xa9: {  	[sflag:s20] =	ssyncset.done $0x0  }
0xaa: {  	s1 =	sld [smem:$0x7FB];
	[sflag:s20] =	ssyncadd.s32 $0xFFFFC000  }
0xab: {  	[tilespmem:s7], [sflag:$0x5] =	stream.indirect.gather.add.f32 [spmem:s3], $0x80, s0, s13, $0xb8;
	[tilespmem:$0x19000] =	vst v63  }
0xac: {  	s0 =	sld [smem:$0x7FC]  }
0xad: {  	[tilespmem:s7], [sflag:$0x5] =	stream.indirect.gather.add.f32 [spmem:s3], $0x80, s1, s13, $0xb8;
	[tilespmem:$0x19000] =	vst v63  }
0xae: {  	_ = 	snop  }
0xaf: {  	[tilespmem:s7], [sflag:$0x5] =	stream.indirect.gather.add.f32 [spmem:s3], $0x80, s0, s13, $0xb8;
	[tilespmem:$0x19000] =	vst v63  }
0xb0: {  	_ =	swait.ge [sflag:s19], $0x4000  }
0xb1: {  	s1 =	sld [smem:$0x7FD]  }
0xb2: {  	[sflag:s19] =	ssyncset.done $0x0  }
0xb3: {  	[sflag:s19] =	ssyncadd.s32 $0xFFFFC000  }
0xb4: {  	[tilespmem:s6], [sflag:$0x6] =	stream.indirect.gather.add.f32 [spmem:s3], $0x80, s1, s13, $0xb8;
	[tilespmem:$0x19000] =	vst v63  }
0xb5: {  	s1 =	simm.s32 $0x8B00  }
0xb6: {  	[tilespmem:s6], [sflag:$0x6] =	stream.indirect.gather.add.f32 [spmem:s3], $0x80, s1, s13, $0xb8;
	[tilespmem:$0x19000] =	vst v63  }
0xb7: {  	_ = 	snop  }
0xb8: {  	[tilespmem:s6], [sflag:$0x6] =	stream.indirect.gather.add.f32 [spmem:s3], $0x80, s26, s13, $0xb8;
	[tilespmem:$0x19000] =	vst v63  }
0xb9: {  	_ =	swait.ge [sflag:s18], $0x4000  }
0xba: {  	[sflag:s18] =	ssyncset.done $0x0  }
0xbb: {  	[sflag:s18] =	ssyncadd.s32 $0xFFFFC000  }
0xbc: {  	[tilespmem:s5], [sflag:$0x7] =	stream.indirect.gather.add.f32 [spmem:s3], $0x80, s28, s13, $0xb8;
	[tilespmem:$0x19000] =	vst v63  }
0xbd: {  	_ = 	snop  }
0xbe: {  	[tilespmem:s5], [sflag:$0x7] =	stream.indirect.gather.add.f32 [spmem:s3], $0x80, s29, s13, $0xb8;
	[tilespmem:$0x19000] =	vst v63  }
0xbf: {  	_ = 	snop  }
0xc0: {  	[tilespmem:s5], [sflag:$0x7] =	stream.indirect.gather.add.f32 [spmem:s3], $0x80, s25, s13, $0xb8;
	[tilespmem:$0x19000] =	vst v63  }
0xc1: {  	_ =	swait.ge [sflag:s17], $0x4000  }
0xc2: {  	[sflag:s17] =	ssyncset.done $0x0  }
0xc3: {  	[sflag:s17] =	ssyncadd.s32 $0xFFFFC000  }
0xc4: {  	[tilespmem:s4], [sflag:$0x8] =	stream.indirect.gather.add.f32 [spmem:s3], $0x80, s22, s13, $0xb8;
	[tilespmem:$0x19000] =	vst v63  }
0xc5: {  	_ = 	snop  }
0xc6: {  	[tilespmem:s4], [sflag:$0x8] =	stream.indirect.gather.add.f32 [spmem:s3], $0x80, s23, s13, $0xb8;
	[tilespmem:$0x19000] =	vst v63  }
0xc7: {  	_ = 	snop  }
0xc8: {  	[tilespmem:s4], [sflag:$0x8] =	stream.indirect.gather.add.f32 [spmem:s3], $0x80, s24, s13, $0xb8;
	[tilespmem:$0x19000] =	vst v63  }
0xc9: {  	_ =	swait.ge [sflag:s16], $0x4000  }
0xca: {  	[sflag:s16] =	ssyncset.done $0x0  }
0xcb: {  	[sflag:s16] =	ssyncadd.s32 $0xFFFFC000  }
0xcc: {  	_ =	swait.ge [sflag:s16], $0x4000  }
0xcd: {  	[sflag:s16] =	ssyncset.done $0x0  }
0xce: {  	[sflag:s16] =	ssyncadd.s32 $0xFFFFC000  }
0xcf: {  	_ =	swait.ge [sflag:s16], $0x4000  }
0xd0: {  	[sflag:s16] =	ssyncset.done $0x0  }
0xd1: {  	s1 =	rddreg [dreg:$0xd];
	[sflag:s16] =	ssyncadd.s32 $0xFFFFC000  }
0xd2: {  	[hbm4b:s1+s2] =	stream.linear.scatter [tilespmem:s7], [sflag:$0x9], $0x4000, $0x38;
	[tilespmem:$0x19000] =	vst v63  }
0xd3: {  	_ =	swait.ge [sflag:s15], $0x4000  }
0xd4: {  	[sflag:s15] =	ssyncset.done $0x0  }
0xd5: {  	[sflag:s15] =	ssyncadd.s32 $0xFFFFC000  }
0xd6: {  	_ =	swait.ge [sflag:s15], $0x4000  }
0xd7: {  	[sflag:s15] =	ssyncset.done $0x0  }
0xd8: {  	[sflag:s15] =	ssyncadd.s32 $0xFFFFC000  }
0xd9: {  	_ =	swait.ge [sflag:s15], $0x4000  }
0xda: {  	[sflag:s15] =	ssyncset.done $0x0  }
0xdb: {  	s1 =	rddreg [dreg:$0xe];
	[sflag:s15] =	ssyncadd.s32 $0xFFFFC000  }
0xdc: {  	[hbm4b:s1+s2] =	stream.linear.scatter [tilespmem:s6], [sflag:$0xA], $0x4000, $0x38;
	[tilespmem:$0x19000] =	vst v63  }
0xdd: {  	_ =	swait.ge [sflag:s14], $0x4000  }
0xde: {  	[sflag:s14] =	ssyncset.done $0x0  }
0xdf: {  	[sflag:s14] =	ssyncadd.s32 $0xFFFFC000  }
0xe0: {  	_ =	swait.ge [sflag:s14], $0x4000  }
0xe1: {  	[sflag:s14] =	ssyncset.done $0x0  }
0xe2: {  	[sflag:s14] =	ssyncadd.s32 $0xFFFFC000  }
0xe3: {  	_ =	swait.ge [sflag:s14], $0x4000  }
0xe4: {  	[sflag:s14] =	ssyncset.done $0x0  }
0xe5: {  	s1 =	rddreg [dreg:$0xf];
	[sflag:s14] =	ssyncadd.s32 $0xFFFFC000  }
0xe6: {  	[hbm4b:s1+s2] =	stream.linear.scatter [tilespmem:s5], [sflag:$0xB], $0x4000, $0x38;
	[tilespmem:$0x19000] =	vst v63  }
0xe7: {  	_ =	swait.ge [sflag:s12], $0x4000  }
0xe8: {  	[sflag:s12] =	ssyncset.done $0x0  }
0xe9: {  	[sflag:s12] =	ssyncadd.s32 $0xFFFFC000  }
0xea: {  	_ =	swait.ge [sflag:s12], $0x4000  }
0xeb: {  	[sflag:s12] =	ssyncset.done $0x0  }
0xec: {  	[sflag:s12] =	ssyncadd.s32 $0xFFFFC000  }
0xed: {  	_ =	swait.ge [sflag:s12], $0x4000  }
0xee: {  	[sflag:s12] =	ssyncset.done $0x0  }
0xef: {  	s1 =	rddreg [dreg:$0x10];
	[sflag:s12] =	ssyncadd.s32 $0xFFFFC000  }
0xf0: {  	[hbm4b:s1+s2] =	stream.linear.scatter [tilespmem:s4], [sflag:$0xC], $0x4000, $0x38;
	[tilespmem:$0x19000] =	vst v63  }
0xf1: {  	_ =	swait.ge [sflag:s8], $0x4000  }
0xf2: {  	[sflag:s8] =	ssyncset.done $0x0  }
0xf3: {  	[sflag:s8] =	ssyncadd.s32 $0xFFFFC000  }
0xf4: {  	_ =	swait.ge [sflag:s9], $0x4000  }
0xf5: {  	[sflag:s9] =	ssyncset.done $0x0  }
0xf6: {  	p1 =	sne.s32 s21, $0x1;
	[sflag:s9] =	ssyncadd.s32 $0xFFFFC000  }
.Ltmp1:
0xf7: {  	_ =	swait.ge [sflag:s10], $0x4000;
	(pc) =	sbr.rel @!p1 .LBB2_3-.Ltmp1, $4  }
0xf8: {  	[sflag:s10] =	ssyncset.done $0x0  }
0xf9: {  	[sflag:s10] =	ssyncadd.s32 $0xFFFFC000  }
0xfa: {  	p0 =	por $0x1, $0x1;
	_ =	swait.ge [sflag:s11], $0x4000  }
0xfb: {  	s0 =	sadd.s32 $0xFFFFFFFF, s21;
	s1 =	rddreg [dreg:$0x4];
	[sflag:s11] =	ssyncset.done $0x0  }
.LBB2_4:
0xfc: {  	[sflag:s11] =	ssyncadd.s32 $0xFFFFC000  }
0xfd: {  	[tilespmem:s7], [sflag:$0xD] =	stream.linear.gather [hbm4b:s1+s2], $0x4000, $0x38;
	[tilespmem:$0x19000] =	vst v63  }
0xfe: {  	_ =	swait.ge [sflag:s30], $0x4000  }
0xff: {  	[sflag:s30] =	ssyncset.done $0x0  }
0x100: {  	s21 =	rddreg [dreg:$0x5];
	[sflag:s30] =	ssyncadd.s32 $0xFFFFC000  }
0x101: {  	[spmem:s21] =	stream.linear.scatter [tilespmem:s7], [sflag:$0xD], $0x4000, $0x38;
	[tilespmem:$0x19000] =	vst v63  }
0x102: {  	_ =	swait.ge [sflag:s30], $0x4000  }
0x103: {  	[sflag:s30] =	ssyncset.done $0x0  }
0x104: {  	s21 =	rddreg [dreg:$0x6];
	[sflag:s30] =	ssyncadd.s32 $0xFFFFC000  }
0x105: {  	[tilespmem:s6], [sflag:$0xD] =	stream.linear.gather [hbm4b:s21+s2], $0x4000, $0x38;
	[tilespmem:$0x19000] =	vst v63  }
0x106: {  	_ =	swait.ge [sflag:s30], $0x4000  }
0x107: {  	[sflag:s30] =	ssyncset.done $0x0  }
0x108: {  	s21 =	rddreg [dreg:$0x7];
	[sflag:s30] =	ssyncadd.s32 $0xFFFFC000  }
0x109: {  	[spmem:s21] =	stream.linear.scatter [tilespmem:s6], [sflag:$0xD], $0x4000, $0x38;
	[tilespmem:$0x19000] =	vst v63  }
0x10a: {  	_ =	swait.ge [sflag:s30], $0x4000  }
0x10b: {  	[sflag:s30] =	ssyncset.done $0x0  }
0x10c: {  	s21 =	rddreg [dreg:$0x8];
	[sflag:s30] =	ssyncadd.s32 $0xFFFFC000  }
0x10d: {  	[tilespmem:s31], [sflag:$0xD] =	stream.linear.gather [hbm4b:s21+s2], $0x1000, $0x38;
	[tilespmem:$0x19000] =	vst v63  }
0x10e: {  	_ =	swait.ge [sflag:s30], $0x1000  }
0x10f: {  	[sflag:s30] =	ssyncset.done $0x0  }
0x110: {  	[sflag:s30] =	ssyncadd.s32 $0xFFFFF000  }
0x111: {  	[bflag:$0x0] =	sbarrier.arrive $0xFFFF  }
0x112: {  	[tilespmem:s7], [sflag:$0x1] =	stream.indirect.gather [spmem:s3], $0x80, s31, s13, $0xb8;
	[tilespmem:$0x19000] =	vst v63  }
0x113: {  	s1 =	rddreg [dreg:$0x11]  }
0x114: {  	[tilespmem:s6], [sflag:$0x2] =	stream.indirect.gather [spmem:s3], $0x80, s1, s13, $0xb8;
	[tilespmem:$0x19000] =	vst v63  }
0x115: {  	s21 =	rddreg [dreg:$0x12]  }
0x116: {  	[tilespmem:s5], [sflag:$0x3] =	stream.indirect.gather [spmem:s3], $0x80, s21, s13, $0xb8;
	[tilespmem:$0x19000] =	vst v63  }
0x117: {  	s1 =	rddreg [dreg:$0x13]  }
0x118: {  	[tilespmem:s4], [sflag:$0x4] =	stream.indirect.gather [spmem:s3], $0x80, s1, s13, $0xb8;
	[tilespmem:$0x19000] =	vst v63  }
0x119: {  	_ =	swait.ge [sflag:s20], $0x4000  }
0x11a: {  	[sflag:s20] =	ssyncset.done $0x0  }
0x11b: {  	s1 =	rddreg [dreg:$0x14];
	[sflag:s20] =	ssyncadd.s32 $0xFFFFC000  }
0x11c: {  	[tilespmem:s7], [sflag:$0x5] =	stream.indirect.gather.add.f32 [spmem:s3], $0x80, s1, s13, $0xb8;
	[tilespmem:$0x19000] =	vst v63  }
0x11d: {  	s21 =	rddreg [dreg:$0x15]  }
0x11e: {  	[tilespmem:s7], [sflag:$0x5] =	stream.indirect.gather.add.f32 [spmem:s3], $0x80, s21, s13, $0xb8;
	[tilespmem:$0x19000] =	vst v63  }
0x11f: {  	s1 =	rddreg [dreg:$0x16]  }
0x120: {  	[tilespmem:s7], [sflag:$0x5] =	stream.indirect.gather.add.f32 [spmem:s3], $0x80, s1, s13, $0xb8;
	[tilespmem:$0x19000] =	vst v63  }
0x121: {  	_ =	swait.ge [sflag:s19], $0x4000  }
0x122: {  	[sflag:s19] =	ssyncset.done $0x0  }
0x123: {  	s1 =	rddreg [dreg:$0x17];
	[sflag:s19] =	ssyncadd.s32 $0xFFFFC000  }
0x124: {  	[tilespmem:s6], [sflag:$0x6] =	stream.indirect.gather.add.f32 [spmem:s3], $0x80, s1, s13, $0xb8;
	[tilespmem:$0x19000] =	vst v63  }
0x125: {  	s21 =	rddreg [dreg:$0x18]  }
0x126: {  	[tilespmem:s6], [sflag:$0x6] =	stream.indirect.gather.add.f32 [spmem:s3], $0x80, s21, s13, $0xb8;
	[tilespmem:$0x19000] =	vst v63  }
0x127: {  	s1 =	rddreg [dreg:$0x19]  }
0x128: {  	[tilespmem:s6], [sflag:$0x6] =	stream.indirect.gather.add.f32 [spmem:s3], $0x80, s1, s13, $0xb8;
	[tilespmem:$0x19000] =	vst v63  }
0x129: {  	_ =	swait.ge [sflag:s18], $0x4000  }
0x12a: {  	[sflag:s18] =	ssyncset.done $0x0  }
0x12b: {  	s1 =	rddreg [dreg:$0x1a];
	[sflag:s18] =	ssyncadd.s32 $0xFFFFC000  }
0x12c: {  	[tilespmem:s5], [sflag:$0x7] =	stream.indirect.gather.add.f32 [spmem:s3], $0x80, s1, s13, $0xb8;
	[tilespmem:$0x19000] =	vst v63  }
0x12d: {  	s21 =	rddreg [dreg:$0x1b]  }
0x12e: {  	[tilespmem:s5], [sflag:$0x7] =	stream.indirect.gather.add.f32 [spmem:s3], $0x80, s21, s13, $0xb8;
	[tilespmem:$0x19000] =	vst v63  }
0x12f: {  	s1 =	rddreg [dreg:$0x1c]  }
0x130: {  	[tilespmem:s5], [sflag:$0x7] =	stream.indirect.gather.add.f32 [spmem:s3], $0x80, s1, s13, $0xb8;
	[tilespmem:$0x19000] =	vst v63  }
0x131: {  	_ =	swait.ge [sflag:s17], $0x4000  }
0x132: {  	[sflag:s17] =	ssyncset.done $0x0  }
0x133: {  	s1 =	rddreg [dreg:$0x1d];
	[sflag:s17] =	ssyncadd.s32 $0xFFFFC000  }
0x134: {  	[tilespmem:s4], [sflag:$0x8] =	stream.indirect.gather.add.f32 [spmem:s3], $0x80, s1, s13, $0xb8;
	[tilespmem:$0x19000] =	vst v63  }
0x135: {  	s21 =	rddreg [dreg:$0x1e]  }
0x136: {  	[tilespmem:s4], [sflag:$0x8] =	stream.indirect.gather.add.f32 [spmem:s3], $0x80, s21, s13, $0xb8;
	[tilespmem:$0x19000] =	vst v63  }
0x137: {  	s1 =	rddreg [dreg:$0x1f]  }
0x138: {  	[tilespmem:s4], [sflag:$0x8] =	stream.indirect.gather.add.f32 [spmem:s3], $0x80, s1, s13, $0xb8;
	[tilespmem:$0x19000] =	vst v63  }
0x139: {  	_ =	swait.ge [sflag:s16], $0x4000  }
0x13a: {  	[sflag:s16] =	ssyncset.done $0x0  }
0x13b: {  	[sflag:s16] =	ssyncadd.s32 $0xFFFFC000  }
0x13c: {  	_ =	swait.ge [sflag:s16], $0x4000  }
0x13d: {  	[sflag:s16] =	ssyncset.done $0x0  }
0x13e: {  	[sflag:s16] =	ssyncadd.s32 $0xFFFFC000  }
0x13f: {  	_ =	swait.ge [sflag:s16], $0x4000  }
0x140: {  	[sflag:s16] =	ssyncset.done $0x0  }
0x141: {  	s21 =	rddreg [dreg:$0x9];
	[sflag:s16] =	ssyncadd.s32 $0xFFFFC000  }
0x142: {  	[hbm4b:s21+s2] =	stream.linear.scatter [tilespmem:s7], [sflag:$0x9], $0x4000, $0x38;
	[tilespmem:$0x19000] =	vst v63  }
0x143: {  	_ =	swait.ge [sflag:s8], $0x4000  }
0x144: {  	s21 =	sld [smem:$0x7F6]  }
0x145: {  	[sflag:s8] =	ssyncset.done $0x0  }
0x146: {  	[sflag:s8] =	ssyncadd.s32 $0xFFFFC000  }
0x147: {  	[tilespmem:s7], [sflag:$0x1] =	stream.indirect.gather [spmem:s3], $0x80, s21, s13, $0xb8;
	[tilespmem:$0x19000] =	vst v63  }
0x148: {  	_ =	swait.ge [sflag:s15], $0x4000  }
0x149: {  	[sflag:s15] =	ssyncset.done $0x0  }
0x14a: {  	[sflag:s15] =	ssyncadd.s32 $0xFFFFC000  }
0x14b: {  	_ =	swait.ge [sflag:s15], $0x4000  }
0x14c: {  	[sflag:s15] =	ssyncset.done $0x0  }
0x14d: {  	[sflag:s15] =	ssyncadd.s32 $0xFFFFC000  }
0x14e: {  	_ =	swait.ge [sflag:s15], $0x4000  }
0x14f: {  	[sflag:s15] =	ssyncset.done $0x0  }
0x150: {  	s21 =	rddreg [dreg:$0xa];
	[sflag:s15] =	ssyncadd.s32 $0xFFFFC000  }
0x151: {  	[hbm4b:s21+s2] =	stream.linear.scatter [tilespmem:s6], [sflag:$0xA], $0x4000, $0x38;
	[tilespmem:$0x19000] =	vst v63  }
0x152: {  	_ =	swait.ge [sflag:s9], $0x4000  }
0x153: {  	s21 =	sld [smem:$0x7F7]  }
0x154: {  	[sflag:s9] =	ssyncset.done $0x0  }
0x155: {  	[sflag:s9] =	ssyncadd.s32 $0xFFFFC000  }
0x156: {  	[tilespmem:s6], [sflag:$0x2] =	stream.indirect.gather [spmem:s3], $0x80, s21, s13, $0xb8;
	[tilespmem:$0x19000] =	vst v63  }
0x157: {  	_ =	swait.ge [sflag:s14], $0x4000  }
0x158: {  	[sflag:s14] =	ssyncset.done $0x0  }
0x159: {  	[sflag:s14] =	ssyncadd.s32 $0xFFFFC000  }
0x15a: {  	_ =	swait.ge [sflag:s14], $0x4000  }
0x15b: {  	[sflag:s14] =	ssyncset.done $0x0  }
0x15c: {  	[sflag:s14] =	ssyncadd.s32 $0xFFFFC000  }
0x15d: {  	_ =	swait.ge [sflag:s14], $0x4000  }
0x15e: {  	[sflag:s14] =	ssyncset.done $0x0  }
0x15f: {  	s21 =	rddreg [dreg:$0xb];
	[sflag:s14] =	ssyncadd.s32 $0xFFFFC000  }
0x160: {  	[hbm4b:s21+s2] =	stream.linear.scatter [tilespmem:s5], [sflag:$0xB], $0x4000, $0x38;
	[tilespmem:$0x19000] =	vst v63  }
0x161: {  	_ =	swait.ge [sflag:s10], $0x4000  }
0x162: {  	s21 =	sld [smem:$0x7F8]  }
0x163: {  	[sflag:s10] =	ssyncset.done $0x0  }
0x164: {  	[sflag:s10] =	ssyncadd.s32 $0xFFFFC000  }
0x165: {  	[tilespmem:s5], [sflag:$0x3] =	stream.indirect.gather [spmem:s3], $0x80, s21, s13, $0xb8;
	[tilespmem:$0x19000] =	vst v63  }
0x166: {  	_ =	swait.ge [sflag:s12], $0x4000  }
0x167: {  	[sflag:s12] =	ssyncset.done $0x0  }
0x168: {  	[sflag:s12] =	ssyncadd.s32 $0xFFFFC000  }
0x169: {  	_ =	swait.ge [sflag:s12], $0x4000  }
0x16a: {  	[sflag:s12] =	ssyncset.done $0x0  }
0x16b: {  	[sflag:s12] =	ssyncadd.s32 $0xFFFFC000  }
0x16c: {  	_ =	swait.ge [sflag:s12], $0x4000  }
0x16d: {  	[sflag:s12] =	ssyncset.done $0x0  }
0x16e: {  	s21 =	rddreg [dreg:$0xc];
	[sflag:s12] =	ssyncadd.s32 $0xFFFFC000  }
0x16f: {  	[hbm4b:s21+s2] =	stream.linear.scatter [tilespmem:s4], [sflag:$0xC], $0x4000, $0x38;
	[tilespmem:$0x19000] =	vst v63  }
0x170: {  	_ =	swait.ge [sflag:s11], $0x4000  }
0x171: {  	s21 =	sld [smem:$0x7F9]  }
0x172: {  	[sflag:s11] =	ssyncset.done $0x0  }
0x173: {  	[sflag:s11] =	ssyncadd.s32 $0xFFFFC000  }
0x174: {  	[tilespmem:s4], [sflag:$0x4] =	stream.indirect.gather [spmem:s3], $0x80, s21, s13, $0xb8;
	[tilespmem:$0x19000] =	vst v63  }
0x175: {  	_ =	swait.ge [sflag:s20], $0x4000  }
0x176: {  	s1 =	sld [smem:$0x7FA]  }
0x177: {  	[sflag:s20] =	ssyncset.done $0x0  }
0x178: {  	s21 =	sld [smem:$0x7FB];
	[sflag:s20] =	ssyncadd.s32 $0xFFFFC000  }
0x179: {  	[tilespmem:s7], [sflag:$0x5] =	stream.indirect.gather.add.f32 [spmem:s3], $0x80, s1, s13, $0xb8;
	[tilespmem:$0x19000] =	vst v63  }
0x17a: {  	s1 =	sld [smem:$0x7FC]  }
0x17b: {  	[tilespmem:s7], [sflag:$0x5] =	stream.indirect.gather.add.f32 [spmem:s3], $0x80, s21, s13, $0xb8;
	[tilespmem:$0x19000] =	vst v63  }
0x17c: {  	_ = 	snop  }
0x17d: {  	[tilespmem:s7], [sflag:$0x5] =	stream.indirect.gather.add.f32 [spmem:s3], $0x80, s1, s13, $0xb8;
	[tilespmem:$0x19000] =	vst v63  }
0x17e: {  	_ =	swait.ge [sflag:s19], $0x4000  }
0x17f: {  	s21 =	sld [smem:$0x7FD]  }
0x180: {  	[sflag:s19] =	ssyncset.done $0x0  }
0x181: {  	[sflag:s19] =	ssyncadd.s32 $0xFFFFC000  }
0x182: {  	[tilespmem:s6], [sflag:$0x6] =	stream.indirect.gather.add.f32 [spmem:s3], $0x80, s21, s13, $0xb8;
	[tilespmem:$0x19000] =	vst v63  }
0x183: {  	s21 =	simm.s32 $0x8B00  }
0x184: {  	[tilespmem:s6], [sflag:$0x6] =	stream.indirect.gather.add.f32 [spmem:s3], $0x80, s21, s13, $0xb8;
	[tilespmem:$0x19000] =	vst v63  }
0x185: {  	_ = 	snop  }
0x186: {  	[tilespmem:s6], [sflag:$0x6] =	stream.indirect.gather.add.f32 [spmem:s3], $0x80, s26, s13, $0xb8;
	[tilespmem:$0x19000] =	vst v63  }
0x187: {  	_ =	swait.ge [sflag:s18], $0x4000  }
0x188: {  	[sflag:s18] =	ssyncset.done $0x0  }
0x189: {  	[sflag:s18] =	ssyncadd.s32 $0xFFFFC000  }
0x18a: {  	[tilespmem:s5], [sflag:$0x7] =	stream.indirect.gather.add.f32 [spmem:s3], $0x80, s28, s13, $0xb8;
	[tilespmem:$0x19000] =	vst v63  }
0x18b: {  	_ = 	snop  }
0x18c: {  	[tilespmem:s5], [sflag:$0x7] =	stream.indirect.gather.add.f32 [spmem:s3], $0x80, s29, s13, $0xb8;
	[tilespmem:$0x19000] =	vst v63  }
0x18d: {  	_ = 	snop  }
0x18e: {  	[tilespmem:s5], [sflag:$0x7] =	stream.indirect.gather.add.f32 [spmem:s3], $0x80, s25, s13, $0xb8;
	[tilespmem:$0x19000] =	vst v63  }
0x18f: {  	_ =	swait.ge [sflag:s17], $0x4000  }
0x190: {  	[sflag:s17] =	ssyncset.done $0x0  }
0x191: {  	[sflag:s17] =	ssyncadd.s32 $0xFFFFC000  }
0x192: {  	[tilespmem:s4], [sflag:$0x8] =	stream.indirect.gather.add.f32 [spmem:s3], $0x80, s22, s13, $0xb8;
	[tilespmem:$0x19000] =	vst v63  }
0x193: {  	_ = 	snop  }
0x194: {  	[tilespmem:s4], [sflag:$0x8] =	stream.indirect.gather.add.f32 [spmem:s3], $0x80, s23, s13, $0xb8;
	[tilespmem:$0x19000] =	vst v63  }
0x195: {  	_ = 	snop  }
0x196: {  	[tilespmem:s4], [sflag:$0x8] =	stream.indirect.gather.add.f32 [spmem:s3], $0x80, s24, s13, $0xb8;
	[tilespmem:$0x19000] =	vst v63  }
0x197: {  	_ =	swait.ge [sflag:s16], $0x4000  }
0x198: {  	[sflag:s16] =	ssyncset.done $0x0  }
0x199: {  	[sflag:s16] =	ssyncadd.s32 $0xFFFFC000  }
0x19a: {  	_ =	swait.ge [sflag:s16], $0x4000  }
0x19b: {  	[sflag:s16] =	ssyncset.done $0x0  }
0x19c: {  	[sflag:s16] =	ssyncadd.s32 $0xFFFFC000  }
0x19d: {  	_ =	swait.ge [sflag:s16], $0x4000  }
0x19e: {  	[sflag:s16] =	ssyncset.done $0x0  }
0x19f: {  	s21 =	rddreg [dreg:$0xd];
	[sflag:s16] =	ssyncadd.s32 $0xFFFFC000  }
0x1a0: {  	[hbm4b:s21+s2] =	stream.linear.scatter [tilespmem:s7], [sflag:$0x9], $0x4000, $0x38;
	[tilespmem:$0x19000] =	vst v63  }
0x1a1: {  	_ =	swait.ge [sflag:s15], $0x4000  }
0x1a2: {  	[sflag:s15] =	ssyncset.done $0x0  }
0x1a3: {  	[sflag:s15] =	ssyncadd.s32 $0xFFFFC000  }
0x1a4: {  	_ =	swait.ge [sflag:s15], $0x4000  }
0x1a5: {  	[sflag:s15] =	ssyncset.done $0x0  }
0x1a6: {  	[sflag:s15] =	ssyncadd.s32 $0xFFFFC000  }
0x1a7: {  	_ =	swait.ge [sflag:s15], $0x4000  }
0x1a8: {  	[sflag:s15] =	ssyncset.done $0x0  }
0x1a9: {  	s21 =	rddreg [dreg:$0xe];
	[sflag:s15] =	ssyncadd.s32 $0xFFFFC000  }
0x1aa: {  	[hbm4b:s21+s2] =	stream.linear.scatter [tilespmem:s6], [sflag:$0xA], $0x4000, $0x38;
	[tilespmem:$0x19000] =	vst v63  }
0x1ab: {  	_ =	swait.ge [sflag:s14], $0x4000  }
0x1ac: {  	[sflag:s14] =	ssyncset.done $0x0  }
0x1ad: {  	[sflag:s14] =	ssyncadd.s32 $0xFFFFC000  }
0x1ae: {  	_ =	swait.ge [sflag:s14], $0x4000  }
0x1af: {  	[sflag:s14] =	ssyncset.done $0x0  }
0x1b0: {  	[sflag:s14] =	ssyncadd.s32 $0xFFFFC000  }
0x1b1: {  	_ =	swait.ge [sflag:s14], $0x4000  }
0x1b2: {  	[sflag:s14] =	ssyncset.done $0x0  }
0x1b3: {  	s21 =	rddreg [dreg:$0xf];
	[sflag:s14] =	ssyncadd.s32 $0xFFFFC000  }
0x1b4: {  	[hbm4b:s21+s2] =	stream.linear.scatter [tilespmem:s5], [sflag:$0xB], $0x4000, $0x38;
	[tilespmem:$0x19000] =	vst v63  }
0x1b5: {  	_ =	swait.ge [sflag:s12], $0x4000  }
0x1b6: {  	[sflag:s12] =	ssyncset.done $0x0  }
0x1b7: {  	[sflag:s12] =	ssyncadd.s32 $0xFFFFC000  }
0x1b8: {  	_ =	swait.ge [sflag:s12], $0x4000  }
0x1b9: {  	[sflag:s12] =	ssyncset.done $0x0  }
0x1ba: {  	[sflag:s12] =	ssyncadd.s32 $0xFFFFC000  }
0x1bb: {  	_ =	swait.ge [sflag:s12], $0x4000  }
0x1bc: {  	[sflag:s12] =	ssyncset.done $0x0  }
0x1bd: {  	s21 =	rddreg [dreg:$0x10];
	[sflag:s12] =	ssyncadd.s32 $0xFFFFC000  }
0x1be: {  	[hbm4b:s21+s2] =	stream.linear.scatter [tilespmem:s4], [sflag:$0xC], $0x4000, $0x38;
	[tilespmem:$0x19000] =	vst v63  }
0x1bf: {  	_ =	swait.ge [sflag:s8], $0x4000  }
0x1c0: {  	[sflag:s8] =	ssyncset.done $0x0  }
0x1c1: {  	[sflag:s8] =	ssyncadd.s32 $0xFFFFC000  }
0x1c2: {  	_ =	swait.ge [sflag:s9], $0x4000  }
0x1c3: {  	[sflag:s9] =	ssyncset.done $0x0  }
0x1c4: {  	p1 =	sne.s32 s0, $0x1;
	[sflag:s9] =	ssyncadd.s32 $0xFFFFC000  }
.Ltmp2:
0x1c5: {  	_ =	swait.ge [sflag:s10], $0x4000;
	(pc) =	sbr.rel @p1 .LBB2_4-.Ltmp2, $4  }
0x1c6: {  	[sflag:s10] =	ssyncset.done $0x0  }
0x1c7: {  	[sflag:s10] =	ssyncadd.s32 $0xFFFFC000  }
0x1c8: {  	_ =	swait.ge [sflag:s11], $0x4000  }
0x1c9: {  	s0 =	sadd.s32 $0xFFFFFFFF, s0;
	s1 =	rddreg [dreg:$0x4];
	[sflag:s11] =	ssyncset.done $0x0  }
0x1ca: {  	s24 =	simm.s32 $0x8D80;
	s29 =	simm.s32 $0x8D00  }
0x1cb: {  	s28 =	simm.s32 $0x8C80;
	s26 =	simm.s32 $0x8B80;
	s25 =	simm.s32 $0x8B00  }
0x1cc: {  	s23 =	simm.s32 $0x8F00;
	s22 =	simm.s32 $0x8E80;
	s21 =	rddreg [dreg:$0x3]  }
.LBB2_6:
0x1cd: {  	[sflag:s11] =	ssyncadd.s32 @p0 $0xFFFFC000  }
0x1ce: {  	[tilespmem:s7], [sflag:$0xD] =	stream.linear.gather [hbm4b:s1+s2], $0x4000, $0x38;
	[tilespmem:$0x19000] =	vst v63  }
0x1cf: {  	_ =	swait.ge [sflag:s30], $0x4000  }
0x1d0: {  	[sflag:s30] =	ssyncset.done $0x0  }
0x1d1: {  	s0 =	rddreg [dreg:$0x5];
	[sflag:s30] =	ssyncadd.s32 $0xFFFFC000  }
0x1d2: {  	[spmem:s0] =	stream.linear.scatter [tilespmem:s7], [sflag:$0xD], $0x4000, $0x38;
	[tilespmem:$0x19000] =	vst v63  }
0x1d3: {  	_ =	swait.ge [sflag:s30], $0x4000  }
0x1d4: {  	[sflag:s30] =	ssyncset.done $0x0  }
0x1d5: {  	s1 =	rddreg [dreg:$0x6];
	[sflag:s30] =	ssyncadd.s32 $0xFFFFC000  }
0x1d6: {  	[tilespmem:s6], [sflag:$0xD] =	stream.linear.gather [hbm4b:s1+s2], $0x4000, $0x38;
	[tilespmem:$0x19000] =	vst v63  }
0x1d7: {  	_ =	swait.ge [sflag:s30], $0x4000  }
0x1d8: {  	[sflag:s30] =	ssyncset.done $0x0  }
0x1d9: {  	s1 =	rddreg [dreg:$0x7];
	[sflag:s30] =	ssyncadd.s32 $0xFFFFC000  }
0x1da: {  	[spmem:s1] =	stream.linear.scatter [tilespmem:s6], [sflag:$0xD], $0x4000, $0x38;
	[tilespmem:$0x19000] =	vst v63  }
0x1db: {  	_ =	swait.ge [sflag:s30], $0x4000  }
0x1dc: {  	[sflag:s30] =	ssyncset.done $0x0  }
0x1dd: {  	s1 =	rddreg [dreg:$0x8];
	[sflag:s30] =	ssyncadd.s32 $0xFFFFC000  }
0x1de: {  	[tilespmem:s31], [sflag:$0xD] =	stream.linear.gather [hbm4b:s1+s2], $0x1000, $0x38;
	[tilespmem:$0x19000] =	vst v63  }
0x1df: {  	_ =	swait.ge [sflag:s30], $0x1000  }
0x1e0: {  	[sflag:s30] =	ssyncset.done $0x0  }
0x1e1: {  	[sflag:s30] =	ssyncadd.s32 $0xFFFFF000  }
0x1e2: {  	[bflag:$0x0] =	sbarrier.arrive $0xFFFF  }
0x1e3: {  	[tilespmem:s7], [sflag:$0x1] =	stream.indirect.gather [spmem:s3], $0x80, s31, s13, $0xb8;
	[tilespmem:$0x19000] =	vst v63  }
0x1e4: {  	s1 =	rddreg [dreg:$0x11]  }
0x1e5: {  	[tilespmem:s6], [sflag:$0x2] =	stream.indirect.gather [spmem:s3], $0x80, s1, s13, $0xb8;
	[tilespmem:$0x19000] =	vst v63  }
0x1e6: {  	s30 =	rddreg [dreg:$0x12]  }
0x1e7: {  	[tilespmem:s5], [sflag:$0x3] =	stream.indirect.gather [spmem:s3], $0x80, s30, s13, $0xb8;
	[tilespmem:$0x19000] =	vst v63  }
0x1e8: {  	s31 =	rddreg [dreg:$0x13]  }
0x1e9: {  	[tilespmem:s4], [sflag:$0x4] =	stream.indirect.gather [spmem:s3], $0x80, s31, s13, $0xb8;
	[tilespmem:$0x19000] =	vst v63  }
0x1ea: {  	_ =	swait.ge [sflag:s20], $0x4000  }
0x1eb: {  	[sflag:s20] =	ssyncset.done $0x0  }
0x1ec: {  	s1 =	rddreg [dreg:$0x14];
	[sflag:s20] =	ssyncadd.s32 $0xFFFFC000  }
0x1ed: {  	[tilespmem:s7], [sflag:$0x5] =	stream.indirect.gather.add.f32 [spmem:s3], $0x80, s1, s13, $0xb8;
	[tilespmem:$0x19000] =	vst v63  }
0x1ee: {  	s30 =	rddreg [dreg:$0x15]  }
0x1ef: {  	[tilespmem:s7], [sflag:$0x5] =	stream.indirect.gather.add.f32 [spmem:s3], $0x80, s30, s13, $0xb8;
	[tilespmem:$0x19000] =	vst v63  }
0x1f0: {  	s31 =	rddreg [dreg:$0x16]  }
0x1f1: {  	[tilespmem:s7], [sflag:$0x5] =	stream.indirect.gather.add.f32 [spmem:s3], $0x80, s31, s13, $0xb8;
	[tilespmem:$0x19000] =	vst v63  }
0x1f2: {  	_ =	swait.ge [sflag:s19], $0x4000  }
0x1f3: {  	[sflag:s19] =	ssyncset.done $0x0  }
0x1f4: {  	s1 =	rddreg [dreg:$0x17];
	[sflag:s19] =	ssyncadd.s32 $0xFFFFC000  }
0x1f5: {  	[tilespmem:s6], [sflag:$0x6] =	stream.indirect.gather.add.f32 [spmem:s3], $0x80, s1, s13, $0xb8;
	[tilespmem:$0x19000] =	vst v63  }
0x1f6: {  	s30 =	rddreg [dreg:$0x18]  }
0x1f7: {  	[tilespmem:s6], [sflag:$0x6] =	stream.indirect.gather.add.f32 [spmem:s3], $0x80, s30, s13, $0xb8;
	[tilespmem:$0x19000] =	vst v63  }
0x1f8: {  	s31 =	rddreg [dreg:$0x19]  }
0x1f9: {  	[tilespmem:s6], [sflag:$0x6] =	stream.indirect.gather.add.f32 [spmem:s3], $0x80, s31, s13, $0xb8;
	[tilespmem:$0x19000] =	vst v63  }
0x1fa: {  	_ =	swait.ge [sflag:s18], $0x4000  }
0x1fb: {  	[sflag:s18] =	ssyncset.done $0x0  }
0x1fc: {  	s1 =	rddreg [dreg:$0x1a];
	[sflag:s18] =	ssyncadd.s32 $0xFFFFC000  }
0x1fd: {  	[tilespmem:s5], [sflag:$0x7] =	stream.indirect.gather.add.f32 [spmem:s3], $0x80, s1, s13, $0xb8;
	[tilespmem:$0x19000] =	vst v63  }
0x1fe: {  	s30 =	rddreg [dreg:$0x1b]  }
0x1ff: {  	[tilespmem:s5], [sflag:$0x7] =	stream.indirect.gather.add.f32 [spmem:s3], $0x80, s30, s13, $0xb8;
	[tilespmem:$0x19000] =	vst v63  }
0x200: {  	s31 =	rddreg [dreg:$0x1c]  }
0x201: {  	[tilespmem:s5], [sflag:$0x7] =	stream.indirect.gather.add.f32 [spmem:s3], $0x80, s31, s13, $0xb8;
	[tilespmem:$0x19000] =	vst v63  }
0x202: {  	_ =	swait.ge [sflag:s17], $0x4000  }
0x203: {  	[sflag:s17] =	ssyncset.done $0x0  }
0x204: {  	s1 =	rddreg [dreg:$0x1d];
	[sflag:s17] =	ssyncadd.s32 $0xFFFFC000  }
0x205: {  	[tilespmem:s4], [sflag:$0x8] =	stream.indirect.gather.add.f32 [spmem:s3], $0x80, s1, s13, $0xb8;
	[tilespmem:$0x19000] =	vst v63  }
0x206: {  	s30 =	rddreg [dreg:$0x1e]  }
0x207: {  	[tilespmem:s4], [sflag:$0x8] =	stream.indirect.gather.add.f32 [spmem:s3], $0x80, s30, s13, $0xb8;
	[tilespmem:$0x19000] =	vst v63  }
0x208: {  	s31 =	rddreg [dreg:$0x1f]  }
0x209: {  	[tilespmem:s4], [sflag:$0x8] =	stream.indirect.gather.add.f32 [spmem:s3], $0x80, s31, s13, $0xb8;
	[tilespmem:$0x19000] =	vst v63  }
0x20a: {  	_ =	swait.ge [sflag:s16], $0x4000  }
0x20b: {  	[sflag:s16] =	ssyncset.done $0x0  }
0x20c: {  	[sflag:s16] =	ssyncadd.s32 $0xFFFFC000  }
0x20d: {  	_ =	swait.ge [sflag:s16], $0x4000  }
0x20e: {  	[sflag:s16] =	ssyncset.done $0x0  }
0x20f: {  	[sflag:s16] =	ssyncadd.s32 $0xFFFFC000  }
0x210: {  	_ =	swait.ge [sflag:s16], $0x4000  }
0x211: {  	[sflag:s16] =	ssyncset.done $0x0  }
0x212: {  	s30 =	rddreg [dreg:$0x9];
	[sflag:s16] =	ssyncadd.s32 $0xFFFFC000  }
0x213: {  	[hbm4b:s30+s2] =	stream.linear.scatter [tilespmem:s7], [sflag:$0x9], $0x4000, $0x38;
	[tilespmem:$0x19000] =	vst v63  }
0x214: {  	_ =	swait.ge [sflag:s8], $0x4000  }
0x215: {  	s31 =	sld [smem:$0x7F6]  }
0x216: {  	[sflag:s8] =	ssyncset.done $0x0  }
0x217: {  	[sflag:s8] =	ssyncadd.s32 $0xFFFFC000  }
0x218: {  	[tilespmem:s7], [sflag:$0x1] =	stream.indirect.gather [spmem:s3], $0x80, s31, s13, $0xb8;
	[tilespmem:$0x19000] =	vst v63  }
0x219: {  	_ =	swait.ge [sflag:s15], $0x4000  }
0x21a: {  	[sflag:s15] =	ssyncset.done $0x0  }
0x21b: {  	[sflag:s15] =	ssyncadd.s32 $0xFFFFC000  }
0x21c: {  	_ =	swait.ge [sflag:s15], $0x4000  }
0x21d: {  	[sflag:s15] =	ssyncset.done $0x0  }
0x21e: {  	[sflag:s15] =	ssyncadd.s32 $0xFFFFC000  }
0x21f: {  	_ =	swait.ge [sflag:s15], $0x4000  }
0x220: {  	[sflag:s15] =	ssyncset.done $0x0  }
0x221: {  	s1 =	rddreg [dreg:$0xa];
	[sflag:s15] =	ssyncadd.s32 $0xFFFFC000  }
0x222: {  	[hbm4b:s1+s2] =	stream.linear.scatter [tilespmem:s6], [sflag:$0xA], $0x4000, $0x38;
	[tilespmem:$0x19000] =	vst v63  }
0x223: {  	_ =	swait.ge [sflag:s9], $0x4000  }
0x224: {  	s30 =	sld [smem:$0x7F7]  }
0x225: {  	[sflag:s9] =	ssyncset.done $0x0  }
0x226: {  	[sflag:s9] =	ssyncadd.s32 $0xFFFFC000  }
0x227: {  	[tilespmem:s6], [sflag:$0x2] =	stream.indirect.gather [spmem:s3], $0x80, s30, s13, $0xb8;
	[tilespmem:$0x19000] =	vst v63  }
0x228: {  	_ =	swait.ge [sflag:s14], $0x4000  }
0x229: {  	[sflag:s14] =	ssyncset.done $0x0  }
0x22a: {  	[sflag:s14] =	ssyncadd.s32 $0xFFFFC000  }
0x22b: {  	_ =	swait.ge [sflag:s14], $0x4000  }
0x22c: {  	[sflag:s14] =	ssyncset.done $0x0  }
0x22d: {  	[sflag:s14] =	ssyncadd.s32 $0xFFFFC000  }
0x22e: {  	_ =	swait.ge [sflag:s14], $0x4000  }
0x22f: {  	[sflag:s14] =	ssyncset.done $0x0  }
0x230: {  	s31 =	rddreg [dreg:$0xb];
	[sflag:s14] =	ssyncadd.s32 $0xFFFFC000  }
0x231: {  	[hbm4b:s31+s2] =	stream.linear.scatter [tilespmem:s5], [sflag:$0xB], $0x4000, $0x38;
	[tilespmem:$0x19000] =	vst v63  }
0x232: {  	_ =	swait.ge [sflag:s10], $0x4000  }
0x233: {  	s1 =	sld [smem:$0x7F8]  }
0x234: {  	[sflag:s10] =	ssyncset.done $0x0  }
0x235: {  	[sflag:s10] =	ssyncadd.s32 $0xFFFFC000  }
0x236: {  	[tilespmem:s5], [sflag:$0x3] =	stream.indirect.gather [spmem:s3], $0x80, s1, s13, $0xb8;
	[tilespmem:$0x19000] =	vst v63  }
0x237: {  	_ =	swait.ge [sflag:s12], $0x4000  }
0x238: {  	[sflag:s12] =	ssyncset.done $0x0  }
0x239: {  	[sflag:s12] =	ssyncadd.s32 $0xFFFFC000  }
0x23a: {  	_ =	swait.ge [sflag:s12], $0x4000  }
0x23b: {  	[sflag:s12] =	ssyncset.done $0x0  }
0x23c: {  	[sflag:s12] =	ssyncadd.s32 $0xFFFFC000  }
0x23d: {  	_ =	swait.ge [sflag:s12], $0x4000  }
0x23e: {  	[sflag:s12] =	ssyncset.done $0x0  }
0x23f: {  	s30 =	rddreg [dreg:$0xc];
	[sflag:s12] =	ssyncadd.s32 $0xFFFFC000  }
0x240: {  	[hbm4b:s30+s2] =	stream.linear.scatter [tilespmem:s4], [sflag:$0xC], $0x4000, $0x38;
	[tilespmem:$0x19000] =	vst v63  }
0x241: {  	_ =	swait.ge [sflag:s11], $0x4000  }
0x242: {  	s31 =	sld [smem:$0x7F9]  }
0x243: {  	[sflag:s11] =	ssyncset.done $0x0  }
0x244: {  	[sflag:s11] =	ssyncadd.s32 $0xFFFFC000  }
0x245: {  	[tilespmem:s4], [sflag:$0x4] =	stream.indirect.gather [spmem:s3], $0x80, s31, s13, $0xb8;
	[tilespmem:$0x19000] =	vst v63  }
0x246: {  	_ =	swait.ge [sflag:s20], $0x4000  }
0x247: {  	s1 =	sld [smem:$0x7FA]  }
0x248: {  	[sflag:s20] =	ssyncset.done $0x0  }
0x249: {  	s30 =	sld [smem:$0x7FB];
	[sflag:s20] =	ssyncadd.s32 $0xFFFFC000  }
0x24a: {  	[tilespmem:s7], [sflag:$0x5] =	stream.indirect.gather.add.f32 [spmem:s3], $0x80, s1, s13, $0xb8;
	[tilespmem:$0x19000] =	vst v63  }
0x24b: {  	s31 =	sld [smem:$0x7FC]  }
0x24c: {  	[tilespmem:s7], [sflag:$0x5] =	stream.indirect.gather.add.f32 [spmem:s3], $0x80, s30, s13, $0xb8;
	[tilespmem:$0x19000] =	vst v63  }
0x24d: {  	_ = 	snop  }
0x24e: {  	[tilespmem:s7], [sflag:$0x5] =	stream.indirect.gather.add.f32 [spmem:s3], $0x80, s31, s13, $0xb8;
	[tilespmem:$0x19000] =	vst v63  }
0x24f: {  	_ =	swait.ge [sflag:s19], $0x4000  }
0x250: {  	s20 =	sld [smem:$0x7FD]  }
0x251: {  	[sflag:s19] =	ssyncset.done $0x0  }
0x252: {  	[sflag:s19] =	ssyncadd.s32 $0xFFFFC000  }
0x253: {  	[tilespmem:s6], [sflag:$0x6] =	stream.indirect.gather.add.f32 [spmem:s3], $0x80, s20, s13, $0xb8;
	[tilespmem:$0x19000] =	vst v63  }
0x254: {  	_ = 	snop  }
0x255: {  	[tilespmem:s6], [sflag:$0x6] =	stream.indirect.gather.add.f32 [spmem:s3], $0x80, s25, s13, $0xb8;
	[tilespmem:$0x19000] =	vst v63  }
0x256: {  	_ = 	snop  }
0x257: {  	[tilespmem:s6], [sflag:$0x6] =	stream.indirect.gather.add.f32 [spmem:s3], $0x80, s26, s13, $0xb8;
	[tilespmem:$0x19000] =	vst v63  }
0x258: {  	_ =	swait.ge [sflag:s18], $0x4000  }
0x259: {  	[sflag:s18] =	ssyncset.done $0x0  }
0x25a: {  	[sflag:s18] =	ssyncadd.s32 $0xFFFFC000  }
0x25b: {  	[tilespmem:s5], [sflag:$0x7] =	stream.indirect.gather.add.f32 [spmem:s3], $0x80, s28, s13, $0xb8;
	[tilespmem:$0x19000] =	vst v63  }
0x25c: {  	_ = 	snop  }
0x25d: {  	[tilespmem:s5], [sflag:$0x7] =	stream.indirect.gather.add.f32 [spmem:s3], $0x80, s29, s13, $0xb8;
	[tilespmem:$0x19000] =	vst v63  }
0x25e: {  	_ = 	snop  }
0x25f: {  	[tilespmem:s5], [sflag:$0x7] =	stream.indirect.gather.add.f32 [spmem:s3], $0x80, s24, s13, $0xb8;
	[tilespmem:$0x19000] =	vst v63  }
0x260: {  	_ =	swait.ge [sflag:s17], $0x4000  }
0x261: {  	[sflag:s17] =	ssyncset.done $0x0  }
0x262: {  	[sflag:s17] =	ssyncadd.s32 $0xFFFFC000  }
0x263: {  	[tilespmem:s4], [sflag:$0x8] =	stream.indirect.gather.add.f32 [spmem:s3], $0x80, s22, s13, $0xb8;
	[tilespmem:$0x19000] =	vst v63  }
0x264: {  	_ = 	snop  }
0x265: {  	[tilespmem:s4], [sflag:$0x8] =	stream.indirect.gather.add.f32 [spmem:s3], $0x80, s23, s13, $0xb8;
	[tilespmem:$0x19000] =	vst v63  }
0x266: {  	s25 =	simm.s32 $0x8F80  }
0x267: {  	[tilespmem:s4], [sflag:$0x8] =	stream.indirect.gather.add.f32 [spmem:s3], $0x80, s25, s13, $0xb8;
	[tilespmem:$0x19000] =	vst v63  }
0x268: {  	_ =	swait.ge [sflag:s16], $0x4000  }
0x269: {  	[sflag:s16] =	ssyncset.done $0x0  }
0x26a: {  	[sflag:s16] =	ssyncadd.s32 $0xFFFFC000  }
0x26b: {  	_ =	swait.ge [sflag:s16], $0x4000  }
0x26c: {  	[sflag:s16] =	ssyncset.done $0x0  }
0x26d: {  	[sflag:s16] =	ssyncadd.s32 $0xFFFFC000  }
0x26e: {  	_ =	swait.ge [sflag:s16], $0x4000  }
0x26f: {  	[sflag:s16] =	ssyncset.done $0x0  }
0x270: {  	s26 =	rddreg [dreg:$0xd];
	[sflag:s16] =	ssyncadd.s32 $0xFFFFC000  }
0x271: {  	[hbm4b:s26+s2] =	stream.linear.scatter [tilespmem:s7], [sflag:$0x9], $0x4000, $0x38;
	[tilespmem:$0x19000] =	vst v63  }
0x272: {  	_ =	swait.ge [sflag:s15], $0x4000  }
0x273: {  	[sflag:s15] =	ssyncset.done $0x0  }
0x274: {  	[sflag:s15] =	ssyncadd.s32 $0xFFFFC000  }
0x275: {  	_ =	swait.ge [sflag:s15], $0x4000  }
0x276: {  	[sflag:s15] =	ssyncset.done $0x0  }
0x277: {  	[sflag:s15] =	ssyncadd.s32 $0xFFFFC000  }
0x278: {  	_ =	swait.ge [sflag:s15], $0x4000  }
0x279: {  	[sflag:s15] =	ssyncset.done $0x0  }
0x27a: {  	s28 =	rddreg [dreg:$0xe];
	[sflag:s15] =	ssyncadd.s32 $0xFFFFC000  }
0x27b: {  	[hbm4b:s28+s2] =	stream.linear.scatter [tilespmem:s6], [sflag:$0xA], $0x4000, $0x38;
	[tilespmem:$0x19000] =	vst v63  }
0x27c: {  	_ =	swait.ge [sflag:s14], $0x4000  }
0x27d: {  	[sflag:s14] =	ssyncset.done $0x0  }
0x27e: {  	[sflag:s14] =	ssyncadd.s32 $0xFFFFC000  }
0x27f: {  	_ =	swait.ge [sflag:s14], $0x4000  }
0x280: {  	[sflag:s14] =	ssyncset.done $0x0  }
0x281: {  	[sflag:s14] =	ssyncadd.s32 $0xFFFFC000  }
0x282: {  	_ =	swait.ge [sflag:s14], $0x4000  }
0x283: {  	[sflag:s14] =	ssyncset.done $0x0  }
0x284: {  	s29 =	rddreg [dreg:$0xf];
	[sflag:s14] =	ssyncadd.s32 $0xFFFFC000  }
0x285: {  	[hbm4b:s29+s2] =	stream.linear.scatter [tilespmem:s5], [sflag:$0xB], $0x4000, $0x38;
	[tilespmem:$0x19000] =	vst v63  }
0x286: {  	_ =	swait.ge [sflag:s12], $0x4000  }
0x287: {  	[sflag:s12] =	ssyncset.done $0x0  }
0x288: {  	[sflag:s12] =	ssyncadd.s32 $0xFFFFC000  }
0x289: {  	_ =	swait.ge [sflag:s12], $0x4000  }
0x28a: {  	[sflag:s12] =	ssyncset.done $0x0  }
0x28b: {  	[sflag:s12] =	ssyncadd.s32 $0xFFFFC000  }
0x28c: {  	_ =	swait.ge [sflag:s12], $0x4000  }
0x28d: {  	[sflag:s12] =	ssyncset.done $0x0  }
0x28e: {  	s30 =	rddreg [dreg:$0x10];
	[sflag:s12] =	ssyncadd.s32 $0xFFFFC000  }
0x28f: {  	[hbm4b:s30+s2] =	stream.linear.scatter [tilespmem:s4], [sflag:$0xC], $0x4000, $0x38;
	[tilespmem:$0x19000] =	vst v63  }
0x290: {  	_ =	swait.ge [sflag:s8], $0x4000  }
0x291: {  	[sflag:s8] =	ssyncset.done $0x0  }
0x292: {  	[sflag:s8] =	ssyncadd.s32 $0xFFFFC000  }
0x293: {  	_ =	swait.ge [sflag:s9], $0x4000  }
0x294: {  	[sflag:s9] =	ssyncset.done $0x0  }
0x295: {  	[sflag:s9] =	ssyncadd.s32 $0xFFFFC000  }
0x296: {  	_ =	swait.ge [sflag:s10], $0x4000  }
0x297: {  	[sflag:s10] =	ssyncset.done $0x0  }
0x298: {  	[sflag:s10] =	ssyncadd.s32 $0xFFFFC000  }
0x299: {  	_ =	swait.ge [sflag:s11], $0x4000  }
0x29a: {  	[sflag:s11] =	ssyncset.done $0x0  }
0x29b: {  	[sflag:s11] =	ssyncadd.s32 $0xFFFFC000  }
0x29c: {  	_ =	sfence.sel $0x180000  }
0x29d: {  	s31 =	stileid.u32;
	[bflag:$0x0] =	sbarrier.arrive $0xFFFF  }
0x29e: {  	p0 =	sne.s32 s31, $0x0;
	_ =	strace $0x90000047  }
0x29f: {  	s0 =	sadd.s32 @!p0 $0x100000, s21;
	[bflag:$0x2] =	sbarrier.arrive $0xFFFF  }
0x2a0: {  	[sflag:s0] =	ssyncadd.tile.s32 @!p0 $0x1;
	_ =	shalt  }
.LBB2_1:
.Ltmp3:
0x2a1: {  	(pc) =	sbr.rel .LBB2_6-.Ltmp3, $4  }
0x2a2: {  	_ = 	snop  }
0x2a3: {  	s24 =	simm.s32 $0x8D80  }
0x2a4: {  	s29 =	simm.s32 $0x8D00;
	s28 =	simm.s32 $0x8C80;
	s26 =	simm.s32 $0x8B80  }
0x2a5: {  	s25 =	simm.s32 $0x8B00;
	s23 =	simm.s32 $0x8F00;
	s22 =	simm.s32 $0x8E80  }
.LBB2_3:
.Ltmp4:
0x2a6: {  	(pc) =	sbr.rel .LBB2_6-.Ltmp4, $4  }
0x2a7: {  	_ = 	snop  }
0x2a8: {  	s24 =	simm.s32 $0x8D80;
	s29 =	simm.s32 $0x8D00  }
0x2a9: {  	s28 =	simm.s32 $0x8C80;
	s26 =	simm.s32 $0x8B80;
	s25 =	simm.s32 $0x8B00  }
0x2aa: {  	s23 =	simm.s32 $0x8F00;
	s22 =	simm.s32 $0x8E80;
	s21 =	rddreg [dreg:$0x3]  }
.Lfunc_end2:
_tile_overlayer_lowered:
.L_overlay_start_2:
0x2ab: {  	(tag) =	ssettag $0x2  }
0x2ac: {  	s0 =	rddreg [dreg:$0x0];
	s2 =	stileid.u32  }
0x2ad: {  	s1 =	rddreg [dreg:$0x1];
	p0 =	sne.s32 s2, $0x0  }
0x2ae: {  	s3 =	rddreg [dreg:$0x2];
	[bflag:$0x3] =	sbarrier.arrive $0xFFFF;
	s2 =	simm.s32 @!p0 $0x1C0D  }
0x2af: {  	[timem:s3], [sflag:s2] =	dma.local @!p0 [hbm:s0], s1  }
0x2b0: {  	s0 =	simm.s32 @!p0 $0xD  }
0x2b1: {  	_ =	swait.ge @!p0 [sflag:s0], s1  }
0x2b2: {  	s1 =	ssub.s32 @!p0 $0x0, s1;
	[sflag:s0] =	ssyncset.done @!p0 $0x0  }
0x2b3: {  	[sflag:s0] =	ssyncadd.s32 @!p0 s1  }
0x2b4: {  	[bflag:$0x3] =	sbarrier.arrive $0xFFFF  }
0x2b5: {  	_ =	shalt  }

</sc_bundles>
